<compile_context>
chip_gen: v7x
topology: tpu7x:2x2x1
jax: 0.10.2.dev20260603
libtpu: 0.0.44.dev20260713+nightly
codegen_flags: <defaults>
</compile_context>

<pallas_src>
import functools

import jax
import jax.numpy as jnp
import numpy as np
from jax import lax
from jax.experimental import pallas as pl
from jax.experimental.pallas import tpu as pltpu
from jax.experimental.pallas import tpu_sc as plsc

NC = 2
NS = 16
NW = NC * NS
BATCH = 128
NROW = 3
NIDX = 6


def _sc_partials(n_nodes, d_feat, n_edges):
    assert n_edges % BATCH == 0
    nbatch = n_edges // BATCH
    nb_lo = nbatch // NW
    n_extra = nbatch - nb_lo * NW
    assert nb_lo % NIDX == 0
    ngroups = nb_lo // NIDX
    rpt = (n_nodes // NS) // 8 * 8
    rtail = n_nodes - rpt * NS

    mesh = plsc.VectorSubcoreMesh(core_axis_name="c", subcore_axis_name="s")

    scratch = (
        [pltpu.VMEM_SHARED((n_nodes, d_feat), jnp.float32)]
        + [pltpu.VMEM((2, BATCH), jnp.int32) for _ in range(NIDX)]
        + [pltpu.VMEM((BATCH, d_feat), jnp.float32) for _ in range(NROW)]
        + [pltpu.SemaphoreType.DMA for _ in range(NIDX + 2 * NROW)]
    )

    @functools.partial(
        pl.kernel,
        out_type=jax.ShapeDtypeStruct((NC, n_nodes, d_feat), jnp.float32),
        mesh=mesh,
        scratch_types=scratch,
    )
    def run(x_hbm, pk_hbm, zero_hbm, part_hbm, acc, *bufs):
        idx = bufs[:NIDX]
        rows = bufs[NIDX:NIDX + NROW]
        semi = bufs[NIDX + NROW:2 * NIDX + NROW]
        semg = bufs[2 * NIDX + NROW:2 * NIDX + 2 * NROW]
        sems = bufs[2 * NIDX + 2 * NROW:2 * NIDX + 3 * NROW]
        c = lax.axis_index("c")
        s = lax.axis_index("s")
        w = s * NC + c
        start = w * nb_lo + jnp.minimum(w, n_extra)

        for p in range(2):
            pltpu.async_copy(pk_hbm.at[start + p], idx[p], semi[p])
        pltpu.sync_copy(zero_hbm.at[pl.ds(s * rpt, rpt)],
                        acc.at[pl.ds(s * rpt, rpt)])
        if rtail:
            @pl.when(s == 0)
            def _():
                pltpu.sync_copy(zero_hbm.at[pl.ds(rpt * NS, rtail)],
                                acc.at[pl.ds(rpt * NS, rtail)])
        plsc.subcore_barrier()

        pltpu.make_async_copy(pk_hbm.at[start], idx[0], semi[0]).wait()
        pltpu.async_copy(x_hbm.at[idx[0].at[0]], rows[0], semg[0])

        def group(g, _):
            base = start + g * NIDX
            for p in range(NIDX):
                pr = p % NROW
                rn = (p + 1) % NROW
                pn = (p + 1) % NIDX
                def issue_next():
                    pltpu.make_async_copy(pk_hbm.at[base + p + 1], idx[pn],
                                          semi[pn]).wait()
                    if p >= 2:
                        pltpu.make_async_copy(x_hbm.at[pl.ds(0, BATCH)],
                                              rows[rn], sems[rn]).wait()
                    else:
                        @pl.when(g > 0)
                        def _():
                            pltpu.make_async_copy(
                                x_hbm.at[pl.ds(0, BATCH)],
                                rows[rn], sems[rn]).wait()
                    pltpu.async_copy(x_hbm.at[idx[pn].at[0]], rows[rn],
                                     semg[rn])
                    pf = (p + 2) % NIDX
                    if p <= NIDX - 3:
                        pltpu.async_copy(pk_hbm.at[base + p + 2], idx[pf],
                                         semi[pf])
                    else:
                        @pl.when(g < ngroups - 1)
                        def _():
                            pltpu.async_copy(pk_hbm.at[base + p + 2],
                                             idx[pf], semi[pf])

                if p < NIDX - 1:
                    issue_next()
                else:
                    @pl.when(g < ngroups - 1)
                    def _():
                        issue_next()
                pltpu.make_async_copy(x_hbm.at[pl.ds(0, BATCH)], rows[pr],
                                      semg[pr]).wait()
                pltpu.async_copy(rows[pr], acc.at[idx[p].at[1]], sems[pr],
                                 add=True)
            return _

        lax.fori_loop(0, ngroups, group, None)
        for pr in range(NROW):
            pltpu.make_async_copy(x_hbm.at[pl.ds(0, BATCH)],
                                  rows[pr], sems[pr]).wait()

        if n_extra:
            @pl.when(w < n_extra)
            def _():
                bb = start + nb_lo
                pltpu.async_copy(pk_hbm.at[bb], idx[0], semi[0]).wait()
                pltpu.async_copy(x_hbm.at[idx[0].at[0]], rows[0],
                                 semg[0]).wait()
                pltpu.async_copy(rows[0], acc.at[idx[0].at[1]], sems[0],
                                 add=True).wait()

        plsc.subcore_barrier()
        pltpu.sync_copy(acc.at[pl.ds(s * rpt, rpt)],
                        part_hbm.at[c, pl.ds(s * rpt, rpt)])
        if rtail:
            @pl.when(s == 0)
            def _():
                pltpu.sync_copy(acc.at[pl.ds(rpt * NS, rtail)],
                                part_hbm.at[c, pl.ds(rpt * NS, rtail)])

    return run


def _tc_add(a, b):
    n_nodes, d_feat = a.shape
    blk = 2000
    grid = n_nodes // blk

    def body(a_ref, b_ref, o_ref):
        o_ref[...] = a_ref[...] + b_ref[...]

    return pl.pallas_call(
        body,
        grid=(grid,),
        in_specs=[pl.BlockSpec((blk, d_feat), lambda i: (i, 0))] * 2,
        out_specs=pl.BlockSpec((blk, d_feat), lambda i: (i, 0)),
        out_shape=jax.ShapeDtypeStruct((n_nodes, d_feat), jnp.float32),
    )(a, b)


def kernel(boundary_x, boundary_index, out_size):
    n_nodes, d_feat = boundary_x.shape
    n_edges = boundary_index.shape[1]
    nbatch = n_edges // BATCH
    packed = boundary_index.astype(jnp.int32).reshape(2, nbatch, BATCH)
    packed = packed.transpose(1, 0, 2)
    zeros = jnp.asarray(np.zeros((n_nodes, d_feat), np.float32))
    part = _sc_partials(n_nodes, d_feat, n_edges)(boundary_x, packed, zeros)
    return _tc_add(part[0], part[1])

# --- scband reference (transcript-rebuilt; emitter-appended) ---
"""Pipeline reference for scband-init-reduce-conv-89163521065167 (READ-ONLY COPY).

The authoritative reference and input builder live on the scoring server;
editing this copy changes nothing except your own understanding.
"""

import jax, jax.numpy as jnp
import numpy as np

N_NODES = 10000
N_EDGES = 320000
D_FEAT = 128


def setup_inputs(seed: int = 0) -> dict:
    key = jax.random.key(seed)
    k1, k2 = jax.random.split(key, 2)
    boundary_x = jax.random.normal(k1, (N_NODES, D_FEAT), dtype=jnp.float32)
    boundary_index = jax.random.randint(k2, (2, N_EDGES), 0, N_NODES, dtype=jnp.int64)
    return {
        "boundary_x": boundary_x,
        "boundary_index": boundary_index,
        "out_size": N_NODES,
    }


def reference(boundary_x, boundary_index, out_size):
    # features = boundary_x.index_select(0, boundary_index[0])
    features = jnp.take(boundary_x, boundary_index[0], axis=0)
    num_segments = boundary_x.shape[0]
    segment_ids = boundary_index[1] + (out_size - out_size)
    # scatter(features, boundary_index[1], dim=0, dim_size=out_size, reduce='add')
    out = jax.ops.segment_sum(features, segment_ids, num_segments=num_segments)
    return out


if False:  # reference __main__ guard neutralized (emitter)
    inp = setup_inputs()
    o = reference(**inp)
    print(o.shape, o.dtype)

if __name__ == "__main__":
    import jax
    _d = setup_inputs()
    print(jax.jit(kernel)(*tuple(_d.values())))

</pallas_src>

<mosaic_0001>
#map = affine_map<(d0, d1) -> (0, 0)>
#map1 = affine_map<(d0, d1) -> (0, 0, 0)>
module attributes {stable_mosaic.version = 14 : i64} {
  func.func @run(%arg0: i32, %arg1: i32, %arg2: memref<10000x128xf32, #tpu.memory_space<hbm>>, %arg3: memref<2500x2x128xi32, #tpu.memory_space<hbm>>, %arg4: memref<10000x128xf32, #tpu.memory_space<hbm>>, %arg5: memref<2x10000x128xf32, #tpu.memory_space<hbm>>, %arg6: memref<10000x128xf32, #tpu.memory_space<vmem_shared>>, %arg7: memref<2x128xi32, #tpu.memory_space<vmem>>, %arg8: memref<2x128xi32, #tpu.memory_space<vmem>>, %arg9: memref<2x128xi32, #tpu.memory_space<vmem>>, %arg10: memref<2x128xi32, #tpu.memory_space<vmem>>, %arg11: memref<2x128xi32, #tpu.memory_space<vmem>>, %arg12: memref<2x128xi32, #tpu.memory_space<vmem>>, %arg13: memref<128x128xf32, #tpu.memory_space<vmem>>, %arg14: memref<128x128xf32, #tpu.memory_space<vmem>>, %arg15: memref<128x128xf32, #tpu.memory_space<vmem>>, %arg16: memref<!tpu.dma_semaphore, #tpu.memory_space<semaphore_mem>>, %arg17: memref<!tpu.dma_semaphore, #tpu.memory_space<semaphore_mem>>, %arg18: memref<!tpu.dma_semaphore, #tpu.memory_space<semaphore_mem>>, %arg19: memref<!tpu.dma_semaphore, #tpu.memory_space<semaphore_mem>>, %arg20: memref<!tpu.dma_semaphore, #tpu.memory_space<semaphore_mem>>, %arg21: memref<!tpu.dma_semaphore, #tpu.memory_space<semaphore_mem>>, %arg22: memref<!tpu.dma_semaphore, #tpu.memory_space<semaphore_mem>>, %arg23: memref<!tpu.dma_semaphore, #tpu.memory_space<semaphore_mem>>, %arg24: memref<!tpu.dma_semaphore, #tpu.memory_space<semaphore_mem>>, %arg25: memref<!tpu.dma_semaphore, #tpu.memory_space<semaphore_mem>>, %arg26: memref<!tpu.dma_semaphore, #tpu.memory_space<semaphore_mem>>, %arg27: memref<!tpu.dma_semaphore, #tpu.memory_space<semaphore_mem>>) attributes {dimension_semantics = [#tpu.dimension_semantics<core_parallel>, #tpu.dimension_semantics<subcore_parallel>], iteration_bounds = array<i64: 2, 16>, scalar_prefetch = 0 : i64, scratch_operands = 22 : i64, tpu.core_type = #tpu.core_type<sc_vector_subcore>, window_params = [{transform_indices = #map}, {transform_indices = #map1}, {transform_indices = #map}, {transform_indices = #map1}]} {
    %mul3A = arith.constant 2 : i32
    %mul3A_0 = arith.muli %arg1, %mul3A : i32
    %add3A = arith.addi %mul3A_0, %arg0 : i32
    %mul3A_1 = arith.constant 78 : i32
    %mul3A_2 = arith.muli %add3A, %mul3A_1 : i32
    %min3A = arith.constant 4 : i32
    %min3A_3 = arith.minsi %add3A, %min3A : i32
    %add3A_4 = arith.addi %mul3A_2, %min3A_3 : i32
    %add3A_5 = arith.constant 0 : i32
    %add3A_6 = arith.addi %add3A_4, %add3A_5 : i32
    %dma_start3A = arith.constant 0 : i32
    %dma_start3A_7 = arith.constant 0 : i32
    %dma_start3A_8 = tpu.memref_slice %arg3[%add3A_6, %dma_start3A, %dma_start3A_7] : memref<2500x2x128xi32, #tpu.memory_space<hbm>> -> memref<1x2x128xi32, #tpu.memory_space<hbm>>
    %dma_start3A_9 = tpu.memref_squeeze %dma_start3A_8 : memref<1x2x128xi32, #tpu.memory_space<hbm>> -> memref<2x128xi32, #tpu.memory_space<hbm>>
    %dma_start3A_10 = arith.constant 0 : i32
    %dma_start3A_11 = arith.constant 0 : i32
    %dma_start3A_12 = tpu.memref_slice %arg3[%add3A_6, %dma_start3A_10, %dma_start3A_11] : memref<2500x2x128xi32, #tpu.memory_space<hbm>> -> memref<1x2x128xi32, #tpu.memory_space<hbm>>
    %dma_start3A_13 = tpu.memref_squeeze %dma_start3A_12 : memref<1x2x128xi32, #tpu.memory_space<hbm>> -> memref<2x128xi32, #tpu.memory_space<hbm>>
    tpu.enqueue_dma source(%dma_start3A_13 : memref<2x128xi32, #tpu.memory_space<hbm>>) target(%arg7 : memref<2x128xi32, #tpu.memory_space<vmem>>) target_semaphore(%arg16 : memref<!tpu.dma_semaphore, #tpu.memory_space<semaphore_mem>>)
    %add3A_14 = arith.constant 1 : i32
    %add3A_15 = arith.addi %add3A_4, %add3A_14 : i32
    %dma_start3A_16 = arith.constant 0 : i32
    %dma_start3A_17 = arith.constant 0 : i32
    %dma_start3A_18 = tpu.memref_slice %arg3[%add3A_15, %dma_start3A_16, %dma_start3A_17] : memref<2500x2x128xi32, #tpu.memory_space<hbm>> -> memref<1x2x128xi32, #tpu.memory_space<hbm>>
    %dma_start3A_19 = tpu.memref_squeeze %dma_start3A_18 : memref<1x2x128xi32, #tpu.memory_space<hbm>> -> memref<2x128xi32, #tpu.memory_space<hbm>>
    %dma_start3A_20 = arith.constant 0 : i32
    %dma_start3A_21 = arith.constant 0 : i32
    %dma_start3A_22 = tpu.memref_slice %arg3[%add3A_15, %dma_start3A_20, %dma_start3A_21] : memref<2500x2x128xi32, #tpu.memory_space<hbm>> -> memref<1x2x128xi32, #tpu.memory_space<hbm>>
    %dma_start3A_23 = tpu.memref_squeeze %dma_start3A_22 : memref<1x2x128xi32, #tpu.memory_space<hbm>> -> memref<2x128xi32, #tpu.memory_space<hbm>>
    tpu.enqueue_dma source(%dma_start3A_23 : memref<2x128xi32, #tpu.memory_space<hbm>>) target(%arg8 : memref<2x128xi32, #tpu.memory_space<vmem>>) target_semaphore(%arg17 : memref<!tpu.dma_semaphore, #tpu.memory_space<semaphore_mem>>)
    %mul3A_24 = arith.constant 624 : i32
    %mul3A_25 = arith.muli %arg1, %mul3A_24 : i32
    %mul3A_26 = arith.constant 624 : i32
    %mul3A_27 = arith.muli %arg1, %mul3A_26 : i32
    "tpu.region"() ({
      %run_scoped3A = tpu.sem_alloc : memref<!tpu.dma_semaphore, #tpu.memory_space<semaphore_mem>>
      %dma_start3A_80 = arith.constant 0 : i32
      %dma_start3A_81 = tpu.memref_slice %arg6[%mul3A_27, %dma_start3A_80] : memref<10000x128xf32, #tpu.memory_space<vmem_shared>> -> memref<624x128xf32, #tpu.memory_space<vmem_shared>>
      %dma_start3A_82 = arith.constant 0 : i32
      %dma_start3A_83 = tpu.memref_slice %arg4[%mul3A_25, %dma_start3A_82] : memref<10000x128xf32, #tpu.memory_space<hbm>> -> memref<624x128xf32, #tpu.memory_space<hbm>>
      tpu.enqueue_dma source(%dma_start3A_83 : memref<624x128xf32, #tpu.memory_space<hbm>>) target(%dma_start3A_81 : memref<624x128xf32, #tpu.memory_space<vmem_shared>>) target_semaphore(%run_scoped3A : memref<!tpu.dma_semaphore, #tpu.memory_space<semaphore_mem>>)
      %dma_wait3A_84 = arith.constant 0 : i32
      %dma_wait3A_85 = tpu.memref_slice %arg6[%mul3A_27, %dma_wait3A_84] : memref<10000x128xf32, #tpu.memory_space<vmem_shared>> -> memref<624x128xf32, #tpu.memory_space<vmem_shared>>
      %dma_wait3A_86 = arith.constant 0 : i32
      %dma_wait3A_87 = tpu.memref_slice %arg4[%mul3A_25, %dma_wait3A_86] : memref<10000x128xf32, #tpu.memory_space<hbm>> -> memref<624x128xf32, #tpu.memory_space<hbm>>
      tpu.wait_dma2 semaphore(%run_scoped3A : memref<!tpu.dma_semaphore, #tpu.memory_space<semaphore_mem>>) src(%dma_wait3A_87 : memref<624x128xf32, #tpu.memory_space<hbm>>) dst(%dma_wait3A_85 : memref<624x128xf32, #tpu.memory_space<vmem_shared>>)
      tpu.yield
    }) : () -> ()
    %eq3A = arith.constant 0 : i32
    %eq3A_28 = arith.cmpi eq, %arg1, %eq3A : i32
    %convert_element_type3A = arith.extui %eq3A_28 : i1 to i32
    %cond3A = arith.constant 0 : i32
    %cond3A_29 = arith.cmpi ne, %convert_element_type3A, %cond3A : i32
    scf.if %cond3A_29 {
      "tpu.region"() ({
        %run_scoped3A = tpu.sem_alloc : memref<!tpu.dma_semaphore, #tpu.memory_space<semaphore_mem>>
        %dma_start3A_80 = arith.constant 9984 : i32
        %dma_start3A_81 = arith.constant 0 : i32
        %dma_start3A_82 = tpu.memref_slice %arg6[%dma_start3A_80, %dma_start3A_81] : memref<10000x128xf32, #tpu.memory_space<vmem_shared>> -> memref<16x128xf32, #tpu.memory_space<vmem_shared>>
        %dma_start3A_83 = arith.constant 9984 : i32
        %dma_start3A_84 = arith.constant 0 : i32
        %dma_start3A_85 = tpu.memref_slice %arg4[%dma_start3A_83, %dma_start3A_84] : memref<10000x128xf32, #tpu.memory_space<hbm>> -> memref<16x128xf32, #tpu.memory_space<hbm>>
        tpu.enqueue_dma source(%dma_start3A_85 : memref<16x128xf32, #tpu.memory_space<hbm>>) target(%dma_start3A_82 : memref<16x128xf32, #tpu.memory_space<vmem_shared>>) target_semaphore(%run_scoped3A : memref<!tpu.dma_semaphore, #tpu.memory_space<semaphore_mem>>)
        %dma_wait3A_86 = arith.constant 9984 : i32
        %dma_wait3A_87 = arith.constant 0 : i32
        %dma_wait3A_88 = tpu.memref_slice %arg6[%dma_wait3A_86, %dma_wait3A_87] : memref<10000x128xf32, #tpu.memory_space<vmem_shared>> -> memref<16x128xf32, #tpu.memory_space<vmem_shared>>
        %dma_wait3A_89 = arith.constant 9984 : i32
        %dma_wait3A_90 = arith.constant 0 : i32
        %dma_wait3A_91 = tpu.memref_slice %arg4[%dma_wait3A_89, %dma_wait3A_90] : memref<10000x128xf32, #tpu.memory_space<hbm>> -> memref<16x128xf32, #tpu.memory_space<hbm>>
        tpu.wait_dma2 semaphore(%run_scoped3A : memref<!tpu.dma_semaphore, #tpu.memory_space<semaphore_mem>>) src(%dma_wait3A_91 : memref<16x128xf32, #tpu.memory_space<hbm>>) dst(%dma_wait3A_88 : memref<16x128xf32, #tpu.memory_space<vmem_shared>>)
        tpu.yield
      }) : () -> ()
    } else {
    }
    %barrier3A = arith.constant 0 : index
    tpu.barrier barrier_id(%barrier3A)
    %dma_wait3A = arith.constant 0 : i32
    %dma_wait3A_30 = arith.constant 0 : i32
    %dma_wait3A_31 = tpu.memref_slice %arg3[%add3A_4, %dma_wait3A, %dma_wait3A_30] : memref<2500x2x128xi32, #tpu.memory_space<hbm>> -> memref<1x2x128xi32, #tpu.memory_space<hbm>>
    %dma_wait3A_32 = tpu.memref_squeeze %dma_wait3A_31 : memref<1x2x128xi32, #tpu.memory_space<hbm>> -> memref<2x128xi32, #tpu.memory_space<hbm>>
    %dma_wait3A_33 = arith.constant 0 : i32
    %dma_wait3A_34 = arith.constant 0 : i32
    %dma_wait3A_35 = tpu.memref_slice %arg3[%add3A_4, %dma_wait3A_33, %dma_wait3A_34] : memref<2500x2x128xi32, #tpu.memory_space<hbm>> -> memref<1x2x128xi32, #tpu.memory_space<hbm>>
    %dma_wait3A_36 = tpu.memref_squeeze %dma_wait3A_35 : memref<1x2x128xi32, #tpu.memory_space<hbm>> -> memref<2x128xi32, #tpu.memory_space<hbm>>
    tpu.wait_dma2 semaphore(%arg16 : memref<!tpu.dma_semaphore, #tpu.memory_space<semaphore_mem>>) src(%dma_wait3A_36 : memref<2x128xi32, #tpu.memory_space<hbm>>) dst(%arg7 : memref<2x128xi32, #tpu.memory_space<vmem>>)
    %dma_start3A_37 = arith.constant 0 : i32
    %dma_start3A_38 = arith.constant 0 : i32
    %dma_start3A_39 = tpu.memref_slice %arg7[%dma_start3A_37, %dma_start3A_38] : memref<2x128xi32, #tpu.memory_space<vmem>> -> memref<1x128xi32, #tpu.memory_space<vmem>>
    %dma_start3A_40 = tpu.memref_squeeze %dma_start3A_39 : memref<1x128xi32, #tpu.memory_space<vmem>> -> memref<128xi32, #tpu.memory_space<vmem>>
    %dma_start3A_41 = arith.constant 0 : i32
    %dma_start3A_42 = arith.constant 0 : i32
    %dma_start3A_43 = tpu.memref_slice %arg2[%dma_start3A_41, %dma_start3A_42] : memref<10000x128xf32, #tpu.memory_space<hbm>> -> memref<10000x128xf32, #tpu.memory_space<hbm>>
    tpu.enqueue_indirect_dma source(%dma_start3A_43 : memref<10000x128xf32, #tpu.memory_space<hbm>>) target(%arg13 : memref<128x128xf32, #tpu.memory_space<vmem>>) offsets(%dma_start3A_40 : memref<128xi32, #tpu.memory_space<vmem>>) semaphore(%arg22 : memref<!tpu.dma_semaphore, #tpu.memory_space<semaphore_mem>>)
    %scan3A = arith.constant 0 : i32
    %scan3A_44 = arith.constant 13 : i32
    %scan3A_45 = arith.addi %scan3A, %scan3A_44 : i32
    %scan3A_46 = arith.constant 1 : i32
    scf.for %scan3A_80 = %scan3A to %scan3A_45 step %scan3A_46  : i32 {
      %mul3A_81 = arith.constant 6 : i32
      %mul3A_82 = arith.muli %scan3A_80, %mul3A_81 : i32
      %add3A_83 = arith.addi %add3A_4, %mul3A_82 : i32
      %add3A_84 = arith.constant 0 : i32
      %add3A_85 = arith.addi %add3A_83, %add3A_84 : i32
      %add3A_86 = arith.constant 1 : i32
      %add3A_87 = arith.addi %add3A_85, %add3A_86 : i32
      %dma_wait3A_88 = arith.constant 0 : i32
      %dma_wait3A_89 = arith.constant 0 : i32
      %dma_wait3A_90 = tpu.memref_slice %arg3[%add3A_87, %dma_wait3A_88, %dma_wait3A_89] : memref<2500x2x128xi32, #tpu.memory_space<hbm>> -> memref<1x2x128xi32, #tpu.memory_space<hbm>>
      %dma_wait3A_91 = tpu.memref_squeeze %dma_wait3A_90 : memref<1x2x128xi32, #tpu.memory_space<hbm>> -> memref<2x128xi32, #tpu.memory_space<hbm>>
      %dma_wait3A_92 = arith.constant 0 : i32
      %dma_wait3A_93 = arith.constant 0 : i32
      %dma_wait3A_94 = tpu.memref_slice %arg3[%add3A_87, %dma_wait3A_92, %dma_wait3A_93] : memref<2500x2x128xi32, #tpu.memory_space<hbm>> -> memref<1x2x128xi32, #tpu.memory_space<hbm>>
      %dma_wait3A_95 = tpu.memref_squeeze %dma_wait3A_94 : memref<1x2x128xi32, #tpu.memory_space<hbm>> -> memref<2x128xi32, #tpu.memory_space<hbm>>
      tpu.wait_dma2 semaphore(%arg17 : memref<!tpu.dma_semaphore, #tpu.memory_space<semaphore_mem>>) src(%dma_wait3A_95 : memref<2x128xi32, #tpu.memory_space<hbm>>) dst(%arg8 : memref<2x128xi32, #tpu.memory_space<vmem>>)
      %gt3A = arith.constant 0 : i32
      %gt3A_96 = arith.cmpi sgt, %scan3A_80, %gt3A : i32
      %convert_element_type3A_97 = arith.extui %gt3A_96 : i1 to i32
      %cond3A_98 = arith.constant 0 : i32
      %cond3A_99 = arith.cmpi ne, %convert_element_type3A_97, %cond3A_98 : i32
      scf.if %cond3A_99 {
        %dma_wait3A_342 = arith.constant 0 : i32
        %dma_wait3A_343 = arith.constant 0 : i32
        %dma_wait3A_344 = tpu.memref_slice %arg2[%dma_wait3A_342, %dma_wait3A_343] : memref<10000x128xf32, #tpu.memory_space<hbm>> -> memref<128x128xf32, #tpu.memory_space<hbm>>
        %dma_wait3A_345 = arith.constant 0 : i32
        %dma_wait3A_346 = arith.constant 0 : i32
        %dma_wait3A_347 = tpu.memref_slice %arg2[%dma_wait3A_345, %dma_wait3A_346] : memref<10000x128xf32, #tpu.memory_space<hbm>> -> memref<128x128xf32, #tpu.memory_space<hbm>>
        tpu.wait_dma2 semaphore(%arg26 : memref<!tpu.dma_semaphore, #tpu.memory_space<semaphore_mem>>) src(%dma_wait3A_347 : memref<128x128xf32, #tpu.memory_space<hbm>>) dst(%arg14 : memref<128x128xf32, #tpu.memory_space<vmem>>)
      } else {
      }
      %dma_start3A_100 = arith.constant 0 : i32
      %dma_start3A_101 = arith.constant 0 : i32
      %dma_start3A_102 = tpu.memref_slice %arg8[%dma_start3A_100, %dma_start3A_101] : memref<2x128xi32, #tpu.memory_space<vmem>> -> memref<1x128xi32, #tpu.memory_space<vmem>>
      %dma_start3A_103 = tpu.memref_squeeze %dma_start3A_102 : memref<1x128xi32, #tpu.memory_space<vmem>> -> memref<128xi32, #tpu.memory_space<vmem>>
      %dma_start3A_104 = arith.constant 0 : i32
      %dma_start3A_105 = arith.constant 0 : i32
      %dma_start3A_106 = tpu.memref_slice %arg2[%dma_start3A_104, %dma_start3A_105] : memref<10000x128xf32, #tpu.memory_space<hbm>> -> memref<10000x128xf32, #tpu.memory_space<hbm>>
      tpu.enqueue_indirect_dma source(%dma_start3A_106 : memref<10000x128xf32, #tpu.memory_space<hbm>>) target(%arg14 : memref<128x128xf32, #tpu.memory_space<vmem>>) offsets(%dma_start3A_103 : memref<128xi32, #tpu.memory_space<vmem>>) semaphore(%arg23 : memref<!tpu.dma_semaphore, #tpu.memory_space<semaphore_mem>>)
      %add3A_107 = arith.constant 0 : i32
      %add3A_108 = arith.addi %add3A_83, %add3A_107 : i32
      %add3A_109 = arith.constant 2 : i32
      %add3A_110 = arith.addi %add3A_108, %add3A_109 : i32
      %dma_start3A_111 = arith.constant 0 : i32
      %dma_start3A_112 = arith.constant 0 : i32
      %dma_start3A_113 = tpu.memref_slice %arg3[%add3A_110, %dma_start3A_111, %dma_start3A_112] : memref<2500x2x128xi32, #tpu.memory_space<hbm>> -> memref<1x2x128xi32, #tpu.memory_space<hbm>>
      %dma_start3A_114 = tpu.memref_squeeze %dma_start3A_113 : memref<1x2x128xi32, #tpu.memory_space<hbm>> -> memref<2x128xi32, #tpu.memory_space<hbm>>
      %dma_start3A_115 = arith.constant 0 : i32
      %dma_start3A_116 = arith.constant 0 : i32
      %dma_start3A_117 = tpu.memref_slice %arg3[%add3A_110, %dma_start3A_115, %dma_start3A_116] : memref<2500x2x128xi32, #tpu.memory_space<hbm>> -> memref<1x2x128xi32, #tpu.memory_space<hbm>>
      %dma_start3A_118 = tpu.memref_squeeze %dma_start3A_117 : memref<1x2x128xi32, #tpu.memory_space<hbm>> -> memref<2x128xi32, #tpu.memory_space<hbm>>
      tpu.enqueue_dma source(%dma_start3A_118 : memref<2x128xi32, #tpu.memory_space<hbm>>) target(%arg9 : memref<2x128xi32, #tpu.memory_space<vmem>>) target_semaphore(%arg18 : memref<!tpu.dma_semaphore, #tpu.memory_space<semaphore_mem>>)
      %dma_wait3A_119 = arith.constant 0 : i32
      %dma_wait3A_120 = arith.constant 0 : i32
      %dma_wait3A_121 = tpu.memref_slice %arg2[%dma_wait3A_119, %dma_wait3A_120] : memref<10000x128xf32, #tpu.memory_space<hbm>> -> memref<128x128xf32, #tpu.memory_space<hbm>>
      %dma_wait3A_122 = arith.constant 0 : i32
      %dma_wait3A_123 = arith.constant 0 : i32
      %dma_wait3A_124 = tpu.memref_slice %arg2[%dma_wait3A_122, %dma_wait3A_123] : memref<10000x128xf32, #tpu.memory_space<hbm>> -> memref<128x128xf32, #tpu.memory_space<hbm>>
      tpu.wait_dma2 semaphore(%arg22 : memref<!tpu.dma_semaphore, #tpu.memory_space<semaphore_mem>>) src(%dma_wait3A_124 : memref<128x128xf32, #tpu.memory_space<hbm>>) dst(%arg13 : memref<128x128xf32, #tpu.memory_space<vmem>>)
      %dma_start3A_125 = arith.constant 1 : i32
      %dma_start3A_126 = arith.constant 0 : i32
      %dma_start3A_127 = tpu.memref_slice %arg7[%dma_start3A_125, %dma_start3A_126] : memref<2x128xi32, #tpu.memory_space<vmem>> -> memref<1x128xi32, #tpu.memory_space<vmem>>
      %dma_start3A_128 = tpu.memref_squeeze %dma_start3A_127 : memref<1x128xi32, #tpu.memory_space<vmem>> -> memref<128xi32, #tpu.memory_space<vmem>>
      %dma_start3A_129 = arith.constant 0 : i32
      %dma_start3A_130 = arith.constant 0 : i32
      %dma_start3A_131 = tpu.memref_slice %arg6[%dma_start3A_129, %dma_start3A_130] : memref<10000x128xf32, #tpu.memory_space<vmem_shared>> -> memref<10000x128xf32, #tpu.memory_space<vmem_shared>>
      tpu.enqueue_indirect_dma source(%arg13 : memref<128x128xf32, #tpu.memory_space<vmem>>) target(%dma_start3A_131 : memref<10000x128xf32, #tpu.memory_space<vmem_shared>>) offsets(%dma_start3A_128 : memref<128xi32, #tpu.memory_space<vmem>>) semaphore(%arg25 : memref<!tpu.dma_semaphore, #tpu.memory_space<semaphore_mem>>) {add = true}
      %add3A_132 = arith.constant 1 : i32
      %add3A_133 = arith.addi %add3A_83, %add3A_132 : i32
      %add3A_134 = arith.constant 1 : i32
      %add3A_135 = arith.addi %add3A_133, %add3A_134 : i32
      %dma_wait3A_136 = arith.constant 0 : i32
      %dma_wait3A_137 = arith.constant 0 : i32
      %dma_wait3A_138 = tpu.memref_slice %arg3[%add3A_135, %dma_wait3A_136, %dma_wait3A_137] : memref<2500x2x128xi32, #tpu.memory_space<hbm>> -> memref<1x2x128xi32, #tpu.memory_space<hbm>>
      %dma_wait3A_139 = tpu.memref_squeeze %dma_wait3A_138 : memref<1x2x128xi32, #tpu.memory_space<hbm>> -> memref<2x128xi32, #tpu.memory_space<hbm>>
      %dma_wait3A_140 = arith.constant 0 : i32
      %dma_wait3A_141 = arith.constant 0 : i32
      %dma_wait3A_142 = tpu.memref_slice %arg3[%add3A_135, %dma_wait3A_140, %dma_wait3A_141] : memref<2500x2x128xi32, #tpu.memory_space<hbm>> -> memref<1x2x128xi32, #tpu.memory_space<hbm>>
      %dma_wait3A_143 = tpu.memref_squeeze %dma_wait3A_142 : memref<1x2x128xi32, #tpu.memory_space<hbm>> -> memref<2x128xi32, #tpu.memory_space<hbm>>
      tpu.wait_dma2 semaphore(%arg18 : memref<!tpu.dma_semaphore, #tpu.memory_space<semaphore_mem>>) src(%dma_wait3A_143 : memref<2x128xi32, #tpu.memory_space<hbm>>) dst(%arg9 : memref<2x128xi32, #tpu.memory_space<vmem>>)
      %gt3A_144 = arith.constant 0 : i32
      %gt3A_145 = arith.cmpi sgt, %scan3A_80, %gt3A_144 : i32
      %convert_element_type3A_146 = arith.extui %gt3A_145 : i1 to i32
      %cond3A_147 = arith.constant 0 : i32
      %cond3A_148 = arith.cmpi ne, %convert_element_type3A_146, %cond3A_147 : i32
      scf.if %cond3A_148 {
        %dma_wait3A_342 = arith.constant 0 : i32
        %dma_wait3A_343 = arith.constant 0 : i32
        %dma_wait3A_344 = tpu.memref_slice %arg2[%dma_wait3A_342, %dma_wait3A_343] : memref<10000x128xf32, #tpu.memory_space<hbm>> -> memref<128x128xf32, #tpu.memory_space<hbm>>
        %dma_wait3A_345 = arith.constant 0 : i32
        %dma_wait3A_346 = arith.constant 0 : i32
        %dma_wait3A_347 = tpu.memref_slice %arg2[%dma_wait3A_345, %dma_wait3A_346] : memref<10000x128xf32, #tpu.memory_space<hbm>> -> memref<128x128xf32, #tpu.memory_space<hbm>>
        tpu.wait_dma2 semaphore(%arg27 : memref<!tpu.dma_semaphore, #tpu.memory_space<semaphore_mem>>) src(%dma_wait3A_347 : memref<128x128xf32, #tpu.memory_space<hbm>>) dst(%arg15 : memref<128x128xf32, #tpu.memory_space<vmem>>)
      } else {
      }
      %dma_start3A_149 = arith.constant 0 : i32
      %dma_start3A_150 = arith.constant 0 : i32
      %dma_start3A_151 = tpu.memref_slice %arg9[%dma_start3A_149, %dma_start3A_150] : memref<2x128xi32, #tpu.memory_space<vmem>> -> memref<1x128xi32, #tpu.memory_space<vmem>>
      %dma_start3A_152 = tpu.memref_squeeze %dma_start3A_151 : memref<1x128xi32, #tpu.memory_space<vmem>> -> memref<128xi32, #tpu.memory_space<vmem>>
      %dma_start3A_153 = arith.constant 0 : i32
      %dma_start3A_154 = arith.constant 0 : i32
      %dma_start3A_155 = tpu.memref_slice %arg2[%dma_start3A_153, %dma_start3A_154] : memref<10000x128xf32, #tpu.memory_space<hbm>> -> memref<10000x128xf32, #tpu.memory_space<hbm>>
      tpu.enqueue_indirect_dma source(%dma_start3A_155 : memref<10000x128xf32, #tpu.memory_space<hbm>>) target(%arg15 : memref<128x128xf32, #tpu.memory_space<vmem>>) offsets(%dma_start3A_152 : memref<128xi32, #tpu.memory_space<vmem>>) semaphore(%arg24 : memref<!tpu.dma_semaphore, #tpu.memory_space<semaphore_mem>>)
      %add3A_156 = arith.constant 1 : i32
      %add3A_157 = arith.addi %add3A_83, %add3A_156 : i32
      %add3A_158 = arith.constant 2 : i32
      %add3A_159 = arith.addi %add3A_157, %add3A_158 : i32
      %dma_start3A_160 = arith.constant 0 : i32
      %dma_start3A_161 = arith.constant 0 : i32
      %dma_start3A_162 = tpu.memref_slice %arg3[%add3A_159, %dma_start3A_160, %dma_start3A_161] : memref<2500x2x128xi32, #tpu.memory_space<hbm>> -> memref<1x2x128xi32, #tpu.memory_space<hbm>>
      %dma_start3A_163 = tpu.memref_squeeze %dma_start3A_162 : memref<1x2x128xi32, #tpu.memory_space<hbm>> -> memref<2x128xi32, #tpu.memory_space<hbm>>
      %dma_start3A_164 = arith.constant 0 : i32
      %dma_start3A_165 = arith.constant 0 : i32
      %dma_start3A_166 = tpu.memref_slice %arg3[%add3A_159, %dma_start3A_164, %dma_start3A_165] : memref<2500x2x128xi32, #tpu.memory_space<hbm>> -> memref<1x2x128xi32, #tpu.memory_space<hbm>>
      %dma_start3A_167 = tpu.memref_squeeze %dma_start3A_166 : memref<1x2x128xi32, #tpu.memory_space<hbm>> -> memref<2x128xi32, #tpu.memory_space<hbm>>
      tpu.enqueue_dma source(%dma_start3A_167 : memref<2x128xi32, #tpu.memory_space<hbm>>) target(%arg10 : memref<2x128xi32, #tpu.memory_space<vmem>>) target_semaphore(%arg19 : memref<!tpu.dma_semaphore, #tpu.memory_space<semaphore_mem>>)
      %dma_wait3A_168 = arith.constant 0 : i32
      %dma_wait3A_169 = arith.constant 0 : i32
      %dma_wait3A_170 = tpu.memref_slice %arg2[%dma_wait3A_168, %dma_wait3A_169] : memref<10000x128xf32, #tpu.memory_space<hbm>> -> memref<128x128xf32, #tpu.memory_space<hbm>>
      %dma_wait3A_171 = arith.constant 0 : i32
      %dma_wait3A_172 = arith.constant 0 : i32
      %dma_wait3A_173 = tpu.memref_slice %arg2[%dma_wait3A_171, %dma_wait3A_172] : memref<10000x128xf32, #tpu.memory_space<hbm>> -> memref<128x128xf32, #tpu.memory_space<hbm>>
      tpu.wait_dma2 semaphore(%arg23 : memref<!tpu.dma_semaphore, #tpu.memory_space<semaphore_mem>>) src(%dma_wait3A_173 : memref<128x128xf32, #tpu.memory_space<hbm>>) dst(%arg14 : memref<128x128xf32, #tpu.memory_space<vmem>>)
      %dma_start3A_174 = arith.constant 1 : i32
      %dma_start3A_175 = arith.constant 0 : i32
      %dma_start3A_176 = tpu.memref_slice %arg8[%dma_start3A_174, %dma_start3A_175] : memref<2x128xi32, #tpu.memory_space<vmem>> -> memref<1x128xi32, #tpu.memory_space<vmem>>
      %dma_start3A_177 = tpu.memref_squeeze %dma_start3A_176 : memref<1x128xi32, #tpu.memory_space<vmem>> -> memref<128xi32, #tpu.memory_space<vmem>>
      %dma_start3A_178 = arith.constant 0 : i32
      %dma_start3A_179 = arith.constant 0 : i32
      %dma_start3A_180 = tpu.memref_slice %arg6[%dma_start3A_178, %dma_start3A_179] : memref<10000x128xf32, #tpu.memory_space<vmem_shared>> -> memref<10000x128xf32, #tpu.memory_space<vmem_shared>>
      tpu.enqueue_indirect_dma source(%arg14 : memref<128x128xf32, #tpu.memory_space<vmem>>) target(%dma_start3A_180 : memref<10000x128xf32, #tpu.memory_space<vmem_shared>>) offsets(%dma_start3A_177 : memref<128xi32, #tpu.memory_space<vmem>>) semaphore(%arg26 : memref<!tpu.dma_semaphore, #tpu.memory_space<semaphore_mem>>) {add = true}
      %add3A_181 = arith.constant 2 : i32
      %add3A_182 = arith.addi %add3A_83, %add3A_181 : i32
      %add3A_183 = arith.constant 1 : i32
      %add3A_184 = arith.addi %add3A_182, %add3A_183 : i32
      %dma_wait3A_185 = arith.constant 0 : i32
      %dma_wait3A_186 = arith.constant 0 : i32
      %dma_wait3A_187 = tpu.memref_slice %arg3[%add3A_184, %dma_wait3A_185, %dma_wait3A_186] : memref<2500x2x128xi32, #tpu.memory_space<hbm>> -> memref<1x2x128xi32, #tpu.memory_space<hbm>>
      %dma_wait3A_188 = tpu.memref_squeeze %dma_wait3A_187 : memref<1x2x128xi32, #tpu.memory_space<hbm>> -> memref<2x128xi32, #tpu.memory_space<hbm>>
      %dma_wait3A_189 = arith.constant 0 : i32
      %dma_wait3A_190 = arith.constant 0 : i32
      %dma_wait3A_191 = tpu.memref_slice %arg3[%add3A_184, %dma_wait3A_189, %dma_wait3A_190] : memref<2500x2x128xi32, #tpu.memory_space<hbm>> -> memref<1x2x128xi32, #tpu.memory_space<hbm>>
      %dma_wait3A_192 = tpu.memref_squeeze %dma_wait3A_191 : memref<1x2x128xi32, #tpu.memory_space<hbm>> -> memref<2x128xi32, #tpu.memory_space<hbm>>
      tpu.wait_dma2 semaphore(%arg19 : memref<!tpu.dma_semaphore, #tpu.memory_space<semaphore_mem>>) src(%dma_wait3A_192 : memref<2x128xi32, #tpu.memory_space<hbm>>) dst(%arg10 : memref<2x128xi32, #tpu.memory_space<vmem>>)
      %dma_wait3A_193 = arith.constant 0 : i32
      %dma_wait3A_194 = arith.constant 0 : i32
      %dma_wait3A_195 = tpu.memref_slice %arg2[%dma_wait3A_193, %dma_wait3A_194] : memref<10000x128xf32, #tpu.memory_space<hbm>> -> memref<128x128xf32, #tpu.memory_space<hbm>>
      %dma_wait3A_196 = arith.constant 0 : i32
      %dma_wait3A_197 = arith.constant 0 : i32
      %dma_wait3A_198 = tpu.memref_slice %arg2[%dma_wait3A_196, %dma_wait3A_197] : memref<10000x128xf32, #tpu.memory_space<hbm>> -> memref<128x128xf32, #tpu.memory_space<hbm>>
      tpu.wait_dma2 semaphore(%arg25 : memref<!tpu.dma_semaphore, #tpu.memory_space<semaphore_mem>>) src(%dma_wait3A_198 : memref<128x128xf32, #tpu.memory_space<hbm>>) dst(%arg13 : memref<128x128xf32, #tpu.memory_space<vmem>>)
      %dma_start3A_199 = arith.constant 0 : i32
      %dma_start3A_200 = arith.constant 0 : i32
      %dma_start3A_201 = tpu.memref_slice %arg10[%dma_start3A_199, %dma_start3A_200] : memref<2x128xi32, #tpu.memory_space<vmem>> -> memref<1x128xi32, #tpu.memory_space<vmem>>
      %dma_start3A_202 = tpu.memref_squeeze %dma_start3A_201 : memref<1x128xi32, #tpu.memory_space<vmem>> -> memref<128xi32, #tpu.memory_space<vmem>>
      %dma_start3A_203 = arith.constant 0 : i32
      %dma_start3A_204 = arith.constant 0 : i32
      %dma_start3A_205 = tpu.memref_slice %arg2[%dma_start3A_203, %dma_start3A_204] : memref<10000x128xf32, #tpu.memory_space<hbm>> -> memref<10000x128xf32, #tpu.memory_space<hbm>>
      tpu.enqueue_indirect_dma source(%dma_start3A_205 : memref<10000x128xf32, #tpu.memory_space<hbm>>) target(%arg13 : memref<128x128xf32, #tpu.memory_space<vmem>>) offsets(%dma_start3A_202 : memref<128xi32, #tpu.memory_space<vmem>>) semaphore(%arg22 : memref<!tpu.dma_semaphore, #tpu.memory_space<semaphore_mem>>)
      %add3A_206 = arith.constant 2 : i32
      %add3A_207 = arith.addi %add3A_83, %add3A_206 : i32
      %add3A_208 = arith.constant 2 : i32
      %add3A_209 = arith.addi %add3A_207, %add3A_208 : i32
      %dma_start3A_210 = arith.constant 0 : i32
      %dma_start3A_211 = arith.constant 0 : i32
      %dma_start3A_212 = tpu.memref_slice %arg3[%add3A_209, %dma_start3A_210, %dma_start3A_211] : memref<2500x2x128xi32, #tpu.memory_space<hbm>> -> memref<1x2x128xi32, #tpu.memory_space<hbm>>
      %dma_start3A_213 = tpu.memref_squeeze %dma_start3A_212 : memref<1x2x128xi32, #tpu.memory_space<hbm>> -> memref<2x128xi32, #tpu.memory_space<hbm>>
      %dma_start3A_214 = arith.constant 0 : i32
      %dma_start3A_215 = arith.constant 0 : i32
      %dma_start3A_216 = tpu.memref_slice %arg3[%add3A_209, %dma_start3A_214, %dma_start3A_215] : memref<2500x2x128xi32, #tpu.memory_space<hbm>> -> memref<1x2x128xi32, #tpu.memory_space<hbm>>
      %dma_start3A_217 = tpu.memref_squeeze %dma_start3A_216 : memref<1x2x128xi32, #tpu.memory_space<hbm>> -> memref<2x128xi32, #tpu.memory_space<hbm>>
      tpu.enqueue_dma source(%dma_start3A_217 : memref<2x128xi32, #tpu.memory_space<hbm>>) target(%arg11 : memref<2x128xi32, #tpu.memory_space<vmem>>) target_semaphore(%arg20 : memref<!tpu.dma_semaphore, #tpu.memory_space<semaphore_mem>>)
      %dma_wait3A_218 = arith.constant 0 : i32
      %dma_wait3A_219 = arith.constant 0 : i32
      %dma_wait3A_220 = tpu.memref_slice %arg2[%dma_wait3A_218, %dma_wait3A_219] : memref<10000x128xf32, #tpu.memory_space<hbm>> -> memref<128x128xf32, #tpu.memory_space<hbm>>
      %dma_wait3A_221 = arith.constant 0 : i32
      %dma_wait3A_222 = arith.constant 0 : i32
      %dma_wait3A_223 = tpu.memref_slice %arg2[%dma_wait3A_221, %dma_wait3A_222] : memref<10000x128xf32, #tpu.memory_space<hbm>> -> memref<128x128xf32, #tpu.memory_space<hbm>>
      tpu.wait_dma2 semaphore(%arg24 : memref<!tpu.dma_semaphore, #tpu.memory_space<semaphore_mem>>) src(%dma_wait3A_223 : memref<128x128xf32, #tpu.memory_space<hbm>>) dst(%arg15 : memref<128x128xf32, #tpu.memory_space<vmem>>)
      %dma_start3A_224 = arith.constant 1 : i32
      %dma_start3A_225 = arith.constant 0 : i32
      %dma_start3A_226 = tpu.memref_slice %arg9[%dma_start3A_224, %dma_start3A_225] : memref<2x128xi32, #tpu.memory_space<vmem>> -> memref<1x128xi32, #tpu.memory_space<vmem>>
      %dma_start3A_227 = tpu.memref_squeeze %dma_start3A_226 : memref<1x128xi32, #tpu.memory_space<vmem>> -> memref<128xi32, #tpu.memory_space<vmem>>
      %dma_start3A_228 = arith.constant 0 : i32
      %dma_start3A_229 = arith.constant 0 : i32
      %dma_start3A_230 = tpu.memref_slice %arg6[%dma_start3A_228, %dma_start3A_229] : memref<10000x128xf32, #tpu.memory_space<vmem_shared>> -> memref<10000x128xf32, #tpu.memory_space<vmem_shared>>
      tpu.enqueue_indirect_dma source(%arg15 : memref<128x128xf32, #tpu.memory_space<vmem>>) target(%dma_start3A_230 : memref<10000x128xf32, #tpu.memory_space<vmem_shared>>) offsets(%dma_start3A_227 : memref<128xi32, #tpu.memory_space<vmem>>) semaphore(%arg27 : memref<!tpu.dma_semaphore, #tpu.memory_space<semaphore_mem>>) {add = true}
      %add3A_231 = arith.constant 3 : i32
      %add3A_232 = arith.addi %add3A_83, %add3A_231 : i32
      %add3A_233 = arith.constant 1 : i32
      %add3A_234 = arith.addi %add3A_232, %add3A_233 : i32
      %dma_wait3A_235 = arith.constant 0 : i32
      %dma_wait3A_236 = arith.constant 0 : i32
      %dma_wait3A_237 = tpu.memref_slice %arg3[%add3A_234, %dma_wait3A_235, %dma_wait3A_236] : memref<2500x2x128xi32, #tpu.memory_space<hbm>> -> memref<1x2x128xi32, #tpu.memory_space<hbm>>
      %dma_wait3A_238 = tpu.memref_squeeze %dma_wait3A_237 : memref<1x2x128xi32, #tpu.memory_space<hbm>> -> memref<2x128xi32, #tpu.memory_space<hbm>>
      %dma_wait3A_239 = arith.constant 0 : i32
      %dma_wait3A_240 = arith.constant 0 : i32
      %dma_wait3A_241 = tpu.memref_slice %arg3[%add3A_234, %dma_wait3A_239, %dma_wait3A_240] : memref<2500x2x128xi32, #tpu.memory_space<hbm>> -> memref<1x2x128xi32, #tpu.memory_space<hbm>>
      %dma_wait3A_242 = tpu.memref_squeeze %dma_wait3A_241 : memref<1x2x128xi32, #tpu.memory_space<hbm>> -> memref<2x128xi32, #tpu.memory_space<hbm>>
      tpu.wait_dma2 semaphore(%arg20 : memref<!tpu.dma_semaphore, #tpu.memory_space<semaphore_mem>>) src(%dma_wait3A_242 : memref<2x128xi32, #tpu.memory_space<hbm>>) dst(%arg11 : memref<2x128xi32, #tpu.memory_space<vmem>>)
      %dma_wait3A_243 = arith.constant 0 : i32
      %dma_wait3A_244 = arith.constant 0 : i32
      %dma_wait3A_245 = tpu.memref_slice %arg2[%dma_wait3A_243, %dma_wait3A_244] : memref<10000x128xf32, #tpu.memory_space<hbm>> -> memref<128x128xf32, #tpu.memory_space<hbm>>
      %dma_wait3A_246 = arith.constant 0 : i32
      %dma_wait3A_247 = arith.constant 0 : i32
      %dma_wait3A_248 = tpu.memref_slice %arg2[%dma_wait3A_246, %dma_wait3A_247] : memref<10000x128xf32, #tpu.memory_space<hbm>> -> memref<128x128xf32, #tpu.memory_space<hbm>>
      tpu.wait_dma2 semaphore(%arg26 : memref<!tpu.dma_semaphore, #tpu.memory_space<semaphore_mem>>) src(%dma_wait3A_248 : memref<128x128xf32, #tpu.memory_space<hbm>>) dst(%arg14 : memref<128x128xf32, #tpu.memory_space<vmem>>)
      %dma_start3A_249 = arith.constant 0 : i32
      %dma_start3A_250 = arith.constant 0 : i32
      %dma_start3A_251 = tpu.memref_slice %arg11[%dma_start3A_249, %dma_start3A_250] : memref<2x128xi32, #tpu.memory_space<vmem>> -> memref<1x128xi32, #tpu.memory_space<vmem>>
      %dma_start3A_252 = tpu.memref_squeeze %dma_start3A_251 : memref<1x128xi32, #tpu.memory_space<vmem>> -> memref<128xi32, #tpu.memory_space<vmem>>
      %dma_start3A_253 = arith.constant 0 : i32
      %dma_start3A_254 = arith.constant 0 : i32
      %dma_start3A_255 = tpu.memref_slice %arg2[%dma_start3A_253, %dma_start3A_254] : memref<10000x128xf32, #tpu.memory_space<hbm>> -> memref<10000x128xf32, #tpu.memory_space<hbm>>
      tpu.enqueue_indirect_dma source(%dma_start3A_255 : memref<10000x128xf32, #tpu.memory_space<hbm>>) target(%arg14 : memref<128x128xf32, #tpu.memory_space<vmem>>) offsets(%dma_start3A_252 : memref<128xi32, #tpu.memory_space<vmem>>) semaphore(%arg23 : memref<!tpu.dma_semaphore, #tpu.memory_space<semaphore_mem>>)
      %add3A_256 = arith.constant 3 : i32
      %add3A_257 = arith.addi %add3A_83, %add3A_256 : i32
      %add3A_258 = arith.constant 2 : i32
      %add3A_259 = arith.addi %add3A_257, %add3A_258 : i32
      %dma_start3A_260 = arith.constant 0 : i32
      %dma_start3A_261 = arith.constant 0 : i32
      %dma_start3A_262 = tpu.memref_slice %arg3[%add3A_259, %dma_start3A_260, %dma_start3A_261] : memref<2500x2x128xi32, #tpu.memory_space<hbm>> -> memref<1x2x128xi32, #tpu.memory_space<hbm>>
      %dma_start3A_263 = tpu.memref_squeeze %dma_start3A_262 : memref<1x2x128xi32, #tpu.memory_space<hbm>> -> memref<2x128xi32, #tpu.memory_space<hbm>>
      %dma_start3A_264 = arith.constant 0 : i32
      %dma_start3A_265 = arith.constant 0 : i32
      %dma_start3A_266 = tpu.memref_slice %arg3[%add3A_259, %dma_start3A_264, %dma_start3A_265] : memref<2500x2x128xi32, #tpu.memory_space<hbm>> -> memref<1x2x128xi32, #tpu.memory_space<hbm>>
      %dma_start3A_267 = tpu.memref_squeeze %dma_start3A_266 : memref<1x2x128xi32, #tpu.memory_space<hbm>> -> memref<2x128xi32, #tpu.memory_space<hbm>>
      tpu.enqueue_dma source(%dma_start3A_267 : memref<2x128xi32, #tpu.memory_space<hbm>>) target(%arg12 : memref<2x128xi32, #tpu.memory_space<vmem>>) target_semaphore(%arg21 : memref<!tpu.dma_semaphore, #tpu.memory_space<semaphore_mem>>)
      %dma_wait3A_268 = arith.constant 0 : i32
      %dma_wait3A_269 = arith.constant 0 : i32
      %dma_wait3A_270 = tpu.memref_slice %arg2[%dma_wait3A_268, %dma_wait3A_269] : memref<10000x128xf32, #tpu.memory_space<hbm>> -> memref<128x128xf32, #tpu.memory_space<hbm>>
      %dma_wait3A_271 = arith.constant 0 : i32
      %dma_wait3A_272 = arith.constant 0 : i32
      %dma_wait3A_273 = tpu.memref_slice %arg2[%dma_wait3A_271, %dma_wait3A_272] : memref<10000x128xf32, #tpu.memory_space<hbm>> -> memref<128x128xf32, #tpu.memory_space<hbm>>
      tpu.wait_dma2 semaphore(%arg22 : memref<!tpu.dma_semaphore, #tpu.memory_space<semaphore_mem>>) src(%dma_wait3A_273 : memref<128x128xf32, #tpu.memory_space<hbm>>) dst(%arg13 : memref<128x128xf32, #tpu.memory_space<vmem>>)
      %dma_start3A_274 = arith.constant 1 : i32
      %dma_start3A_275 = arith.constant 0 : i32
      %dma_start3A_276 = tpu.memref_slice %arg10[%dma_start3A_274, %dma_start3A_275] : memref<2x128xi32, #tpu.memory_space<vmem>> -> memref<1x128xi32, #tpu.memory_space<vmem>>
      %dma_start3A_277 = tpu.memref_squeeze %dma_start3A_276 : memref<1x128xi32, #tpu.memory_space<vmem>> -> memref<128xi32, #tpu.memory_space<vmem>>
      %dma_start3A_278 = arith.constant 0 : i32
      %dma_start3A_279 = arith.constant 0 : i32
      %dma_start3A_280 = tpu.memref_slice %arg6[%dma_start3A_278, %dma_start3A_279] : memref<10000x128xf32, #tpu.memory_space<vmem_shared>> -> memref<10000x128xf32, #tpu.memory_space<vmem_shared>>
      tpu.enqueue_indirect_dma source(%arg13 : memref<128x128xf32, #tpu.memory_space<vmem>>) target(%dma_start3A_280 : memref<10000x128xf32, #tpu.memory_space<vmem_shared>>) offsets(%dma_start3A_277 : memref<128xi32, #tpu.memory_space<vmem>>) semaphore(%arg25 : memref<!tpu.dma_semaphore, #tpu.memory_space<semaphore_mem>>) {add = true}
      %add3A_281 = arith.constant 4 : i32
      %add3A_282 = arith.addi %add3A_83, %add3A_281 : i32
      %add3A_283 = arith.constant 1 : i32
      %add3A_284 = arith.addi %add3A_282, %add3A_283 : i32
      %dma_wait3A_285 = arith.constant 0 : i32
      %dma_wait3A_286 = arith.constant 0 : i32
      %dma_wait3A_287 = tpu.memref_slice %arg3[%add3A_284, %dma_wait3A_285, %dma_wait3A_286] : memref<2500x2x128xi32, #tpu.memory_space<hbm>> -> memref<1x2x128xi32, #tpu.memory_space<hbm>>
      %dma_wait3A_288 = tpu.memref_squeeze %dma_wait3A_287 : memref<1x2x128xi32, #tpu.memory_space<hbm>> -> memref<2x128xi32, #tpu.memory_space<hbm>>
      %dma_wait3A_289 = arith.constant 0 : i32
      %dma_wait3A_290 = arith.constant 0 : i32
      %dma_wait3A_291 = tpu.memref_slice %arg3[%add3A_284, %dma_wait3A_289, %dma_wait3A_290] : memref<2500x2x128xi32, #tpu.memory_space<hbm>> -> memref<1x2x128xi32, #tpu.memory_space<hbm>>
      %dma_wait3A_292 = tpu.memref_squeeze %dma_wait3A_291 : memref<1x2x128xi32, #tpu.memory_space<hbm>> -> memref<2x128xi32, #tpu.memory_space<hbm>>
      tpu.wait_dma2 semaphore(%arg21 : memref<!tpu.dma_semaphore, #tpu.memory_space<semaphore_mem>>) src(%dma_wait3A_292 : memref<2x128xi32, #tpu.memory_space<hbm>>) dst(%arg12 : memref<2x128xi32, #tpu.memory_space<vmem>>)
      %dma_wait3A_293 = arith.constant 0 : i32
      %dma_wait3A_294 = arith.constant 0 : i32
      %dma_wait3A_295 = tpu.memref_slice %arg2[%dma_wait3A_293, %dma_wait3A_294] : memref<10000x128xf32, #tpu.memory_space<hbm>> -> memref<128x128xf32, #tpu.memory_space<hbm>>
      %dma_wait3A_296 = arith.constant 0 : i32
      %dma_wait3A_297 = arith.constant 0 : i32
      %dma_wait3A_298 = tpu.memref_slice %arg2[%dma_wait3A_296, %dma_wait3A_297] : memref<10000x128xf32, #tpu.memory_space<hbm>> -> memref<128x128xf32, #tpu.memory_space<hbm>>
      tpu.wait_dma2 semaphore(%arg27 : memref<!tpu.dma_semaphore, #tpu.memory_space<semaphore_mem>>) src(%dma_wait3A_298 : memref<128x128xf32, #tpu.memory_space<hbm>>) dst(%arg15 : memref<128x128xf32, #tpu.memory_space<vmem>>)
      %dma_start3A_299 = arith.constant 0 : i32
      %dma_start3A_300 = arith.constant 0 : i32
      %dma_start3A_301 = tpu.memref_slice %arg12[%dma_start3A_299, %dma_start3A_300] : memref<2x128xi32, #tpu.memory_space<vmem>> -> memref<1x128xi32, #tpu.memory_space<vmem>>
      %dma_start3A_302 = tpu.memref_squeeze %dma_start3A_301 : memref<1x128xi32, #tpu.memory_space<vmem>> -> memref<128xi32, #tpu.memory_space<vmem>>
      %dma_start3A_303 = arith.constant 0 : i32
      %dma_start3A_304 = arith.constant 0 : i32
      %dma_start3A_305 = tpu.memref_slice %arg2[%dma_start3A_303, %dma_start3A_304] : memref<10000x128xf32, #tpu.memory_space<hbm>> -> memref<10000x128xf32, #tpu.memory_space<hbm>>
      tpu.enqueue_indirect_dma source(%dma_start3A_305 : memref<10000x128xf32, #tpu.memory_space<hbm>>) target(%arg15 : memref<128x128xf32, #tpu.memory_space<vmem>>) offsets(%dma_start3A_302 : memref<128xi32, #tpu.memory_space<vmem>>) semaphore(%arg24 : memref<!tpu.dma_semaphore, #tpu.memory_space<semaphore_mem>>)
      %lt3A_306 = arith.constant 12 : i32
      %lt3A_307 = arith.cmpi slt, %scan3A_80, %lt3A_306 : i32
      %convert_element_type3A_308 = arith.extui %lt3A_307 : i1 to i32
      %cond3A_309 = arith.constant 0 : i32
      %cond3A_310 = arith.cmpi ne, %convert_element_type3A_308, %cond3A_309 : i32
      scf.if %cond3A_310 {
        %add3A_342 = arith.constant 4 : i32
        %add3A_343 = arith.addi %add3A_83, %add3A_342 : i32
        %add3A_344 = arith.constant 2 : i32
        %add3A_345 = arith.addi %add3A_343, %add3A_344 : i32
        %dma_start3A_346 = arith.constant 0 : i32
        %dma_start3A_347 = arith.constant 0 : i32
        %dma_start3A_348 = tpu.memref_slice %arg3[%add3A_345, %dma_start3A_346, %dma_start3A_347] : memref<2500x2x128xi32, #tpu.memory_space<hbm>> -> memref<1x2x128xi32, #tpu.memory_space<hbm>>
        %dma_start3A_349 = tpu.memref_squeeze %dma_start3A_348 : memref<1x2x128xi32, #tpu.memory_space<hbm>> -> memref<2x128xi32, #tpu.memory_space<hbm>>
        %dma_start3A_350 = arith.constant 0 : i32
        %dma_start3A_351 = arith.constant 0 : i32
        %dma_start3A_352 = tpu.memref_slice %arg3[%add3A_345, %dma_start3A_350, %dma_start3A_351] : memref<2500x2x128xi32, #tpu.memory_space<hbm>> -> memref<1x2x128xi32, #tpu.memory_space<hbm>>
        %dma_start3A_353 = tpu.memref_squeeze %dma_start3A_352 : memref<1x2x128xi32, #tpu.memory_space<hbm>> -> memref<2x128xi32, #tpu.memory_space<hbm>>
        tpu.enqueue_dma source(%dma_start3A_353 : memref<2x128xi32, #tpu.memory_space<hbm>>) target(%arg7 : memref<2x128xi32, #tpu.memory_space<vmem>>) target_semaphore(%arg16 : memref<!tpu.dma_semaphore, #tpu.memory_space<semaphore_mem>>)
      } else {
      }
      %dma_wait3A_311 = arith.constant 0 : i32
      %dma_wait3A_312 = arith.constant 0 : i32
      %dma_wait3A_313 = tpu.memref_slice %arg2[%dma_wait3A_311, %dma_wait3A_312] : memref<10000x128xf32, #tpu.memory_space<hbm>> -> memref<128x128xf32, #tpu.memory_space<hbm>>
      %dma_wait3A_314 = arith.constant 0 : i32
      %dma_wait3A_315 = arith.constant 0 : i32
      %dma_wait3A_316 = tpu.memref_slice %arg2[%dma_wait3A_314, %dma_wait3A_315] : memref<10000x128xf32, #tpu.memory_space<hbm>> -> memref<128x128xf32, #tpu.memory_space<hbm>>
      tpu.wait_dma2 semaphore(%arg23 : memref<!tpu.dma_semaphore, #tpu.memory_space<semaphore_mem>>) src(%dma_wait3A_316 : memref<128x128xf32, #tpu.memory_space<hbm>>) dst(%arg14 : memref<128x128xf32, #tpu.memory_space<vmem>>)
      %dma_start3A_317 = arith.constant 1 : i32
      %dma_start3A_318 = arith.constant 0 : i32
      %dma_start3A_319 = tpu.memref_slice %arg11[%dma_start3A_317, %dma_start3A_318] : memref<2x128xi32, #tpu.memory_space<vmem>> -> memref<1x128xi32, #tpu.memory_space<vmem>>
      %dma_start3A_320 = tpu.memref_squeeze %dma_start3A_319 : memref<1x128xi32, #tpu.memory_space<vmem>> -> memref<128xi32, #tpu.memory_space<vmem>>
      %dma_start3A_321 = arith.constant 0 : i32
      %dma_start3A_322 = arith.constant 0 : i32
      %dma_start3A_323 = tpu.memref_slice %arg6[%dma_start3A_321, %dma_start3A_322] : memref<10000x128xf32, #tpu.memory_space<vmem_shared>> -> memref<10000x128xf32, #tpu.memory_space<vmem_shared>>
      tpu.enqueue_indirect_dma source(%arg14 : memref<128x128xf32, #tpu.memory_space<vmem>>) target(%dma_start3A_323 : memref<10000x128xf32, #tpu.memory_space<vmem_shared>>) offsets(%dma_start3A_320 : memref<128xi32, #tpu.memory_space<vmem>>) semaphore(%arg26 : memref<!tpu.dma_semaphore, #tpu.memory_space<semaphore_mem>>) {add = true}
      %lt3A_324 = arith.constant 12 : i32
      %lt3A_325 = arith.cmpi slt, %scan3A_80, %lt3A_324 : i32
      %convert_element_type3A_326 = arith.extui %lt3A_325 : i1 to i32
      %cond3A_327 = arith.constant 0 : i32
      %cond3A_328 = arith.cmpi ne, %convert_element_type3A_326, %cond3A_327 : i32
      scf.if %cond3A_328 {
        %add3A_342 = arith.constant 5 : i32
        %add3A_343 = arith.addi %add3A_83, %add3A_342 : i32
        %add3A_344 = arith.constant 1 : i32
        %add3A_345 = arith.addi %add3A_343, %add3A_344 : i32
        %dma_wait3A_346 = arith.constant 0 : i32
        %dma_wait3A_347 = arith.constant 0 : i32
        %dma_wait3A_348 = tpu.memref_slice %arg3[%add3A_345, %dma_wait3A_346, %dma_wait3A_347] : memref<2500x2x128xi32, #tpu.memory_space<hbm>> -> memref<1x2x128xi32, #tpu.memory_space<hbm>>
        %dma_wait3A_349 = tpu.memref_squeeze %dma_wait3A_348 : memref<1x2x128xi32, #tpu.memory_space<hbm>> -> memref<2x128xi32, #tpu.memory_space<hbm>>
        %dma_wait3A_350 = arith.constant 0 : i32
        %dma_wait3A_351 = arith.constant 0 : i32
        %dma_wait3A_352 = tpu.memref_slice %arg3[%add3A_345, %dma_wait3A_350, %dma_wait3A_351] : memref<2500x2x128xi32, #tpu.memory_space<hbm>> -> memref<1x2x128xi32, #tpu.memory_space<hbm>>
        %dma_wait3A_353 = tpu.memref_squeeze %dma_wait3A_352 : memref<1x2x128xi32, #tpu.memory_space<hbm>> -> memref<2x128xi32, #tpu.memory_space<hbm>>
        tpu.wait_dma2 semaphore(%arg16 : memref<!tpu.dma_semaphore, #tpu.memory_space<semaphore_mem>>) src(%dma_wait3A_353 : memref<2x128xi32, #tpu.memory_space<hbm>>) dst(%arg7 : memref<2x128xi32, #tpu.memory_space<vmem>>)
        %dma_wait3A_354 = arith.constant 0 : i32
        %dma_wait3A_355 = arith.constant 0 : i32
        %dma_wait3A_356 = tpu.memref_slice %arg2[%dma_wait3A_354, %dma_wait3A_355] : memref<10000x128xf32, #tpu.memory_space<hbm>> -> memref<128x128xf32, #tpu.memory_space<hbm>>
        %dma_wait3A_357 = arith.constant 0 : i32
        %dma_wait3A_358 = arith.constant 0 : i32
        %dma_wait3A_359 = tpu.memref_slice %arg2[%dma_wait3A_357, %dma_wait3A_358] : memref<10000x128xf32, #tpu.memory_space<hbm>> -> memref<128x128xf32, #tpu.memory_space<hbm>>
        tpu.wait_dma2 semaphore(%arg25 : memref<!tpu.dma_semaphore, #tpu.memory_space<semaphore_mem>>) src(%dma_wait3A_359 : memref<128x128xf32, #tpu.memory_space<hbm>>) dst(%arg13 : memref<128x128xf32, #tpu.memory_space<vmem>>)
        %dma_start3A_360 = arith.constant 0 : i32
        %dma_start3A_361 = arith.constant 0 : i32
        %dma_start3A_362 = tpu.memref_slice %arg7[%dma_start3A_360, %dma_start3A_361] : memref<2x128xi32, #tpu.memory_space<vmem>> -> memref<1x128xi32, #tpu.memory_space<vmem>>
        %dma_start3A_363 = tpu.memref_squeeze %dma_start3A_362 : memref<1x128xi32, #tpu.memory_space<vmem>> -> memref<128xi32, #tpu.memory_space<vmem>>
        %dma_start3A_364 = arith.constant 0 : i32
        %dma_start3A_365 = arith.constant 0 : i32
        %dma_start3A_366 = tpu.memref_slice %arg2[%dma_start3A_364, %dma_start3A_365] : memref<10000x128xf32, #tpu.memory_space<hbm>> -> memref<10000x128xf32, #tpu.memory_space<hbm>>
        tpu.enqueue_indirect_dma source(%dma_start3A_366 : memref<10000x128xf32, #tpu.memory_space<hbm>>) target(%arg13 : memref<128x128xf32, #tpu.memory_space<vmem>>) offsets(%dma_start3A_363 : memref<128xi32, #tpu.memory_space<vmem>>) semaphore(%arg22 : memref<!tpu.dma_semaphore, #tpu.memory_space<semaphore_mem>>)
        %lt3A_367 = arith.constant 12 : i32
        %lt3A_368 = arith.cmpi slt, %scan3A_80, %lt3A_367 : i32
        %convert_element_type3A_369 = arith.extui %lt3A_368 : i1 to i32
        %cond3A_370 = arith.constant 0 : i32
        %cond3A_371 = arith.cmpi ne, %convert_element_type3A_369, %cond3A_370 : i32
        scf.if %cond3A_371 {
          %add3A_372 = arith.constant 5 : i32
          %add3A_373 = arith.addi %add3A_83, %add3A_372 : i32
          %add3A_374 = arith.constant 2 : i32
          %add3A_375 = arith.addi %add3A_373, %add3A_374 : i32
          %dma_start3A_376 = arith.constant 0 : i32
          %dma_start3A_377 = arith.constant 0 : i32
          %dma_start3A_378 = tpu.memref_slice %arg3[%add3A_375, %dma_start3A_376, %dma_start3A_377] : memref<2500x2x128xi32, #tpu.memory_space<hbm>> -> memref<1x2x128xi32, #tpu.memory_space<hbm>>
          %dma_start3A_379 = tpu.memref_squeeze %dma_start3A_378 : memref<1x2x128xi32, #tpu.memory_space<hbm>> -> memref<2x128xi32, #tpu.memory_space<hbm>>
          %dma_start3A_380 = arith.constant 0 : i32
          %dma_start3A_381 = arith.constant 0 : i32
          %dma_start3A_382 = tpu.memref_slice %arg3[%add3A_375, %dma_start3A_380, %dma_start3A_381] : memref<2500x2x128xi32, #tpu.memory_space<hbm>> -> memref<1x2x128xi32, #tpu.memory_space<hbm>>
          %dma_start3A_383 = tpu.memref_squeeze %dma_start3A_382 : memref<1x2x128xi32, #tpu.memory_space<hbm>> -> memref<2x128xi32, #tpu.memory_space<hbm>>
          tpu.enqueue_dma source(%dma_start3A_383 : memref<2x128xi32, #tpu.memory_space<hbm>>) target(%arg8 : memref<2x128xi32, #tpu.memory_space<vmem>>) target_semaphore(%arg17 : memref<!tpu.dma_semaphore, #tpu.memory_space<semaphore_mem>>)
        } else {
        }
      } else {
      }
      %dma_wait3A_329 = arith.constant 0 : i32
      %dma_wait3A_330 = arith.constant 0 : i32
      %dma_wait3A_331 = tpu.memref_slice %arg2[%dma_wait3A_329, %dma_wait3A_330] : memref<10000x128xf32, #tpu.memory_space<hbm>> -> memref<128x128xf32, #tpu.memory_space<hbm>>
      %dma_wait3A_332 = arith.constant 0 : i32
      %dma_wait3A_333 = arith.constant 0 : i32
      %dma_wait3A_334 = tpu.memref_slice %arg2[%dma_wait3A_332, %dma_wait3A_333] : memref<10000x128xf32, #tpu.memory_space<hbm>> -> memref<128x128xf32, #tpu.memory_space<hbm>>
      tpu.wait_dma2 semaphore(%arg24 : memref<!tpu.dma_semaphore, #tpu.memory_space<semaphore_mem>>) src(%dma_wait3A_334 : memref<128x128xf32, #tpu.memory_space<hbm>>) dst(%arg15 : memref<128x128xf32, #tpu.memory_space<vmem>>)
      %dma_start3A_335 = arith.constant 1 : i32
      %dma_start3A_336 = arith.constant 0 : i32
      %dma_start3A_337 = tpu.memref_slice %arg12[%dma_start3A_335, %dma_start3A_336] : memref<2x128xi32, #tpu.memory_space<vmem>> -> memref<1x128xi32, #tpu.memory_space<vmem>>
      %dma_start3A_338 = tpu.memref_squeeze %dma_start3A_337 : memref<1x128xi32, #tpu.memory_space<vmem>> -> memref<128xi32, #tpu.memory_space<vmem>>
      %dma_start3A_339 = arith.constant 0 : i32
      %dma_start3A_340 = arith.constant 0 : i32
      %dma_start3A_341 = tpu.memref_slice %arg6[%dma_start3A_339, %dma_start3A_340] : memref<10000x128xf32, #tpu.memory_space<vmem_shared>> -> memref<10000x128xf32, #tpu.memory_space<vmem_shared>>
      tpu.enqueue_indirect_dma source(%arg15 : memref<128x128xf32, #tpu.memory_space<vmem>>) target(%dma_start3A_341 : memref<10000x128xf32, #tpu.memory_space<vmem_shared>>) offsets(%dma_start3A_338 : memref<128xi32, #tpu.memory_space<vmem>>) semaphore(%arg27 : memref<!tpu.dma_semaphore, #tpu.memory_space<semaphore_mem>>) {add = true}
    }
    %scan3A_47 = arith.constant 13 : i32
    %dma_wait3A_48 = arith.constant 0 : i32
    %dma_wait3A_49 = arith.constant 0 : i32
    %dma_wait3A_50 = tpu.memref_slice %arg2[%dma_wait3A_48, %dma_wait3A_49] : memref<10000x128xf32, #tpu.memory_space<hbm>> -> memref<128x128xf32, #tpu.memory_space<hbm>>
    %dma_wait3A_51 = arith.constant 0 : i32
    %dma_wait3A_52 = arith.constant 0 : i32
    %dma_wait3A_53 = tpu.memref_slice %arg2[%dma_wait3A_51, %dma_wait3A_52] : memref<10000x128xf32, #tpu.memory_space<hbm>> -> memref<128x128xf32, #tpu.memory_space<hbm>>
    tpu.wait_dma2 semaphore(%arg25 : memref<!tpu.dma_semaphore, #tpu.memory_space<semaphore_mem>>) src(%dma_wait3A_53 : memref<128x128xf32, #tpu.memory_space<hbm>>) dst(%arg13 : memref<128x128xf32, #tpu.memory_space<vmem>>)
    %dma_wait3A_54 = arith.constant 0 : i32
    %dma_wait3A_55 = arith.constant 0 : i32
    %dma_wait3A_56 = tpu.memref_slice %arg2[%dma_wait3A_54, %dma_wait3A_55] : memref<10000x128xf32, #tpu.memory_space<hbm>> -> memref<128x128xf32, #tpu.memory_space<hbm>>
    %dma_wait3A_57 = arith.constant 0 : i32
    %dma_wait3A_58 = arith.constant 0 : i32
    %dma_wait3A_59 = tpu.memref_slice %arg2[%dma_wait3A_57, %dma_wait3A_58] : memref<10000x128xf32, #tpu.memory_space<hbm>> -> memref<128x128xf32, #tpu.memory_space<hbm>>
    tpu.wait_dma2 semaphore(%arg26 : memref<!tpu.dma_semaphore, #tpu.memory_space<semaphore_mem>>) src(%dma_wait3A_59 : memref<128x128xf32, #tpu.memory_space<hbm>>) dst(%arg14 : memref<128x128xf32, #tpu.memory_space<vmem>>)
    %dma_wait3A_60 = arith.constant 0 : i32
    %dma_wait3A_61 = arith.constant 0 : i32
    %dma_wait3A_62 = tpu.memref_slice %arg2[%dma_wait3A_60, %dma_wait3A_61] : memref<10000x128xf32, #tpu.memory_space<hbm>> -> memref<128x128xf32, #tpu.memory_space<hbm>>
    %dma_wait3A_63 = arith.constant 0 : i32
    %dma_wait3A_64 = arith.constant 0 : i32
    %dma_wait3A_65 = tpu.memref_slice %arg2[%dma_wait3A_63, %dma_wait3A_64] : memref<10000x128xf32, #tpu.memory_space<hbm>> -> memref<128x128xf32, #tpu.memory_space<hbm>>
    tpu.wait_dma2 semaphore(%arg27 : memref<!tpu.dma_semaphore, #tpu.memory_space<semaphore_mem>>) src(%dma_wait3A_65 : memref<128x128xf32, #tpu.memory_space<hbm>>) dst(%arg15 : memref<128x128xf32, #tpu.memory_space<vmem>>)
    %lt3A = arith.constant 4 : i32
    %lt3A_66 = arith.cmpi slt, %add3A, %lt3A : i32
    %convert_element_type3A_67 = arith.extui %lt3A_66 : i1 to i32
    %cond3A_68 = arith.constant 0 : i32
    %cond3A_69 = arith.cmpi ne, %convert_element_type3A_67, %cond3A_68 : i32
    scf.if %cond3A_69 {
      %add3A_80 = arith.constant 78 : i32
      %add3A_81 = arith.addi %add3A_4, %add3A_80 : i32
      %dma_start3A_82 = arith.constant 0 : i32
      %dma_start3A_83 = arith.constant 0 : i32
      %dma_start3A_84 = tpu.memref_slice %arg3[%add3A_81, %dma_start3A_82, %dma_start3A_83] : memref<2500x2x128xi32, #tpu.memory_space<hbm>> -> memref<1x2x128xi32, #tpu.memory_space<hbm>>
      %dma_start3A_85 = tpu.memref_squeeze %dma_start3A_84 : memref<1x2x128xi32, #tpu.memory_space<hbm>> -> memref<2x128xi32, #tpu.memory_space<hbm>>
      %dma_start3A_86 = arith.constant 0 : i32
      %dma_start3A_87 = arith.constant 0 : i32
      %dma_start3A_88 = tpu.memref_slice %arg3[%add3A_81, %dma_start3A_86, %dma_start3A_87] : memref<2500x2x128xi32, #tpu.memory_space<hbm>> -> memref<1x2x128xi32, #tpu.memory_space<hbm>>
      %dma_start3A_89 = tpu.memref_squeeze %dma_start3A_88 : memref<1x2x128xi32, #tpu.memory_space<hbm>> -> memref<2x128xi32, #tpu.memory_space<hbm>>
      tpu.enqueue_dma source(%dma_start3A_89 : memref<2x128xi32, #tpu.memory_space<hbm>>) target(%arg7 : memref<2x128xi32, #tpu.memory_space<vmem>>) target_semaphore(%arg16 : memref<!tpu.dma_semaphore, #tpu.memory_space<semaphore_mem>>)
      %dma_wait3A_90 = arith.constant 0 : i32
      %dma_wait3A_91 = arith.constant 0 : i32
      %dma_wait3A_92 = tpu.memref_slice %arg3[%add3A_81, %dma_wait3A_90, %dma_wait3A_91] : memref<2500x2x128xi32, #tpu.memory_space<hbm>> -> memref<1x2x128xi32, #tpu.memory_space<hbm>>
      %dma_wait3A_93 = tpu.memref_squeeze %dma_wait3A_92 : memref<1x2x128xi32, #tpu.memory_space<hbm>> -> memref<2x128xi32, #tpu.memory_space<hbm>>
      %dma_wait3A_94 = arith.constant 0 : i32
      %dma_wait3A_95 = arith.constant 0 : i32
      %dma_wait3A_96 = tpu.memref_slice %arg3[%add3A_81, %dma_wait3A_94, %dma_wait3A_95] : memref<2500x2x128xi32, #tpu.memory_space<hbm>> -> memref<1x2x128xi32, #tpu.memory_space<hbm>>
      %dma_wait3A_97 = tpu.memref_squeeze %dma_wait3A_96 : memref<1x2x128xi32, #tpu.memory_space<hbm>> -> memref<2x128xi32, #tpu.memory_space<hbm>>
      tpu.wait_dma2 semaphore(%arg16 : memref<!tpu.dma_semaphore, #tpu.memory_space<semaphore_mem>>) src(%dma_wait3A_97 : memref<2x128xi32, #tpu.memory_space<hbm>>) dst(%arg7 : memref<2x128xi32, #tpu.memory_space<vmem>>)
      %dma_start3A_98 = arith.constant 0 : i32
      %dma_start3A_99 = arith.constant 0 : i32
      %dma_start3A_100 = tpu.memref_slice %arg7[%dma_start3A_98, %dma_start3A_99] : memref<2x128xi32, #tpu.memory_space<vmem>> -> memref<1x128xi32, #tpu.memory_space<vmem>>
      %dma_start3A_101 = tpu.memref_squeeze %dma_start3A_100 : memref<1x128xi32, #tpu.memory_space<vmem>> -> memref<128xi32, #tpu.memory_space<vmem>>
      %dma_start3A_102 = arith.constant 0 : i32
      %dma_start3A_103 = arith.constant 0 : i32
      %dma_start3A_104 = tpu.memref_slice %arg2[%dma_start3A_102, %dma_start3A_103] : memref<10000x128xf32, #tpu.memory_space<hbm>> -> memref<10000x128xf32, #tpu.memory_space<hbm>>
      tpu.enqueue_indirect_dma source(%dma_start3A_104 : memref<10000x128xf32, #tpu.memory_space<hbm>>) target(%arg13 : memref<128x128xf32, #tpu.memory_space<vmem>>) offsets(%dma_start3A_101 : memref<128xi32, #tpu.memory_space<vmem>>) semaphore(%arg22 : memref<!tpu.dma_semaphore, #tpu.memory_space<semaphore_mem>>)
      %dma_wait3A_105 = arith.constant 0 : i32
      %dma_wait3A_106 = arith.constant 0 : i32
      %dma_wait3A_107 = tpu.memref_slice %arg7[%dma_wait3A_105, %dma_wait3A_106] : memref<2x128xi32, #tpu.memory_space<vmem>> -> memref<1x128xi32, #tpu.memory_space<vmem>>
      %dma_wait3A_108 = tpu.memref_squeeze %dma_wait3A_107 : memref<1x128xi32, #tpu.memory_space<vmem>> -> memref<128xi32, #tpu.memory_space<vmem>>
      %dma_wait3A_109 = arith.constant 0 : i32
      %dma_wait3A_110 = arith.constant 0 : i32
      %dma_wait3A_111 = tpu.memref_slice %arg2[%dma_wait3A_109, %dma_wait3A_110] : memref<10000x128xf32, #tpu.memory_space<hbm>> -> memref<10000x128xf32, #tpu.memory_space<hbm>>
      tpu.wait_indirect_dma semaphore(%arg22 : memref<!tpu.dma_semaphore, #tpu.memory_space<semaphore_mem>>) src(%dma_wait3A_111 : memref<10000x128xf32, #tpu.memory_space<hbm>>) dst(%arg13 : memref<128x128xf32, #tpu.memory_space<vmem>>)
      %dma_start3A_112 = arith.constant 1 : i32
      %dma_start3A_113 = arith.constant 0 : i32
      %dma_start3A_114 = tpu.memref_slice %arg7[%dma_start3A_112, %dma_start3A_113] : memref<2x128xi32, #tpu.memory_space<vmem>> -> memref<1x128xi32, #tpu.memory_space<vmem>>
      %dma_start3A_115 = tpu.memref_squeeze %dma_start3A_114 : memref<1x128xi32, #tpu.memory_space<vmem>> -> memref<128xi32, #tpu.memory_space<vmem>>
      %dma_start3A_116 = arith.constant 0 : i32
      %dma_start3A_117 = arith.constant 0 : i32
      %dma_start3A_118 = tpu.memref_slice %arg6[%dma_start3A_116, %dma_start3A_117] : memref<10000x128xf32, #tpu.memory_space<vmem_shared>> -> memref<10000x128xf32, #tpu.memory_space<vmem_shared>>
      tpu.enqueue_indirect_dma source(%arg13 : memref<128x128xf32, #tpu.memory_space<vmem>>) target(%dma_start3A_118 : memref<10000x128xf32, #tpu.memory_space<vmem_shared>>) offsets(%dma_start3A_115 : memref<128xi32, #tpu.memory_space<vmem>>) semaphore(%arg25 : memref<!tpu.dma_semaphore, #tpu.memory_space<semaphore_mem>>) {add = true}
      %dma_wait3A_119 = arith.constant 1 : i32
      %dma_wait3A_120 = arith.constant 0 : i32
      %dma_wait3A_121 = tpu.memref_slice %arg7[%dma_wait3A_119, %dma_wait3A_120] : memref<2x128xi32, #tpu.memory_space<vmem>> -> memref<1x128xi32, #tpu.memory_space<vmem>>
      %dma_wait3A_122 = tpu.memref_squeeze %dma_wait3A_121 : memref<1x128xi32, #tpu.memory_space<vmem>> -> memref<128xi32, #tpu.memory_space<vmem>>
      %dma_wait3A_123 = arith.constant 0 : i32
      %dma_wait3A_124 = arith.constant 0 : i32
      %dma_wait3A_125 = tpu.memref_slice %arg6[%dma_wait3A_123, %dma_wait3A_124] : memref<10000x128xf32, #tpu.memory_space<vmem_shared>> -> memref<10000x128xf32, #tpu.memory_space<vmem_shared>>
      tpu.wait_indirect_dma semaphore(%arg25 : memref<!tpu.dma_semaphore, #tpu.memory_space<semaphore_mem>>) src(%arg13 : memref<128x128xf32, #tpu.memory_space<vmem>>) dst(%dma_wait3A_125 : memref<10000x128xf32, #tpu.memory_space<vmem_shared>>)
    } else {
    }
    %barrier3A_70 = arith.constant 0 : index
    tpu.barrier barrier_id(%barrier3A_70)
    %mul3A_71 = arith.constant 624 : i32
    %mul3A_72 = arith.muli %arg1, %mul3A_71 : i32
    %mul3A_73 = arith.constant 624 : i32
    %mul3A_74 = arith.muli %arg1, %mul3A_73 : i32
    "tpu.region"() ({
      %run_scoped3A = tpu.sem_alloc : memref<!tpu.dma_semaphore, #tpu.memory_space<semaphore_mem>>
      %dma_start3A_80 = arith.constant 0 : i32
      %dma_start3A_81 = tpu.memref_slice %arg5[%arg0, %mul3A_74, %dma_start3A_80] : memref<2x10000x128xf32, #tpu.memory_space<hbm>> -> memref<1x624x128xf32, #tpu.memory_space<hbm>>
      %dma_start3A_82 = tpu.memref_squeeze %dma_start3A_81 : memref<1x624x128xf32, #tpu.memory_space<hbm>> -> memref<624x128xf32, #tpu.memory_space<hbm>>
      %dma_start3A_83 = arith.constant 0 : i32
      %dma_start3A_84 = tpu.memref_slice %arg6[%mul3A_72, %dma_start3A_83] : memref<10000x128xf32, #tpu.memory_space<vmem_shared>> -> memref<624x128xf32, #tpu.memory_space<vmem_shared>>
      tpu.enqueue_dma source(%dma_start3A_84 : memref<624x128xf32, #tpu.memory_space<vmem_shared>>) target(%dma_start3A_82 : memref<624x128xf32, #tpu.memory_space<hbm>>) target_semaphore(%run_scoped3A : memref<!tpu.dma_semaphore, #tpu.memory_space<semaphore_mem>>)
      %dma_wait3A_85 = arith.constant 0 : i32
      %dma_wait3A_86 = tpu.memref_slice %arg5[%arg0, %mul3A_74, %dma_wait3A_85] : memref<2x10000x128xf32, #tpu.memory_space<hbm>> -> memref<1x624x128xf32, #tpu.memory_space<hbm>>
      %dma_wait3A_87 = tpu.memref_squeeze %dma_wait3A_86 : memref<1x624x128xf32, #tpu.memory_space<hbm>> -> memref<624x128xf32, #tpu.memory_space<hbm>>
      %dma_wait3A_88 = arith.constant 0 : i32
      %dma_wait3A_89 = tpu.memref_slice %arg6[%mul3A_72, %dma_wait3A_88] : memref<10000x128xf32, #tpu.memory_space<vmem_shared>> -> memref<624x128xf32, #tpu.memory_space<vmem_shared>>
      tpu.wait_dma2 semaphore(%run_scoped3A : memref<!tpu.dma_semaphore, #tpu.memory_space<semaphore_mem>>) src(%dma_wait3A_89 : memref<624x128xf32, #tpu.memory_space<vmem_shared>>) dst(%dma_wait3A_87 : memref<624x128xf32, #tpu.memory_space<hbm>>)
      tpu.yield
    }) : () -> ()
    %eq3A_75 = arith.constant 0 : i32
    %eq3A_76 = arith.cmpi eq, %arg1, %eq3A_75 : i32
    %convert_element_type3A_77 = arith.extui %eq3A_76 : i1 to i32
    %cond3A_78 = arith.constant 0 : i32
    %cond3A_79 = arith.cmpi ne, %convert_element_type3A_77, %cond3A_78 : i32
    scf.if %cond3A_79 {
      "tpu.region"() ({
        %run_scoped3A = tpu.sem_alloc : memref<!tpu.dma_semaphore, #tpu.memory_space<semaphore_mem>>
        %dma_start3A_80 = arith.constant 9984 : i32
        %dma_start3A_81 = arith.constant 0 : i32
        %dma_start3A_82 = tpu.memref_slice %arg5[%arg0, %dma_start3A_80, %dma_start3A_81] : memref<2x10000x128xf32, #tpu.memory_space<hbm>> -> memref<1x16x128xf32, #tpu.memory_space<hbm>>
        %dma_start3A_83 = tpu.memref_squeeze %dma_start3A_82 : memref<1x16x128xf32, #tpu.memory_space<hbm>> -> memref<16x128xf32, #tpu.memory_space<hbm>>
        %dma_start3A_84 = arith.constant 9984 : i32
        %dma_start3A_85 = arith.constant 0 : i32
        %dma_start3A_86 = tpu.memref_slice %arg6[%dma_start3A_84, %dma_start3A_85] : memref<10000x128xf32, #tpu.memory_space<vmem_shared>> -> memref<16x128xf32, #tpu.memory_space<vmem_shared>>
        tpu.enqueue_dma source(%dma_start3A_86 : memref<16x128xf32, #tpu.memory_space<vmem_shared>>) target(%dma_start3A_83 : memref<16x128xf32, #tpu.memory_space<hbm>>) target_semaphore(%run_scoped3A : memref<!tpu.dma_semaphore, #tpu.memory_space<semaphore_mem>>)
        %dma_wait3A_87 = arith.constant 9984 : i32
        %dma_wait3A_88 = arith.constant 0 : i32
        %dma_wait3A_89 = tpu.memref_slice %arg5[%arg0, %dma_wait3A_87, %dma_wait3A_88] : memref<2x10000x128xf32, #tpu.memory_space<hbm>> -> memref<1x16x128xf32, #tpu.memory_space<hbm>>
        %dma_wait3A_90 = tpu.memref_squeeze %dma_wait3A_89 : memref<1x16x128xf32, #tpu.memory_space<hbm>> -> memref<16x128xf32, #tpu.memory_space<hbm>>
        %dma_wait3A_91 = arith.constant 9984 : i32
        %dma_wait3A_92 = arith.constant 0 : i32
        %dma_wait3A_93 = tpu.memref_slice %arg6[%dma_wait3A_91, %dma_wait3A_92] : memref<10000x128xf32, #tpu.memory_space<vmem_shared>> -> memref<16x128xf32, #tpu.memory_space<vmem_shared>>
        tpu.wait_dma2 semaphore(%run_scoped3A : memref<!tpu.dma_semaphore, #tpu.memory_space<semaphore_mem>>) src(%dma_wait3A_93 : memref<16x128xf32, #tpu.memory_space<vmem_shared>>) dst(%dma_wait3A_90 : memref<16x128xf32, #tpu.memory_space<hbm>>)
        tpu.yield
      }) : () -> ()
    } else {
    }
    return
  }
}

module attributes {stable_mosaic.version = 14 : i64} {
  func.func @body(%arg0: i32, %arg1: memref<2000x128xf32, #tpu.memory_space<vmem>>, %arg2: memref<2000x128xf32, #tpu.memory_space<vmem>>, %arg3: memref<2000x128xf32, #tpu.memory_space<vmem>>) attributes {dimension_semantics = [#tpu.dimension_semantics<arbitrary>], iteration_bounds = array<i64: 5>, scalar_prefetch = 0 : i64, scratch_operands = 0 : i64, tpu.core_type = #tpu.core_type<tc>, window_params = [{transform_indices = @transform_0, window_bounds = array<i64: 2000, 128>}, {transform_indices = @transform_1, window_bounds = array<i64: 2000, 128>}, {transform_indices = @transform_2, window_bounds = array<i64: 2000, 128>}]} {
    %get3A = arith.constant 0 : index
    %get3A_0 = arith.constant 0 : index
    %get3A_1 = vector.load %arg1[%get3A, %get3A_0] : memref<2000x128xf32, #tpu.memory_space<vmem>>, vector<2000x128xf32>
    %get3A_2 = arith.constant 0 : index
    %get3A_3 = arith.constant 0 : index
    %get3A_4 = vector.load %arg2[%get3A_2, %get3A_3] : memref<2000x128xf32, #tpu.memory_space<vmem>>, vector<2000x128xf32>
    %add3A = arith.addf %get3A_1, %get3A_4 : vector<2000x128xf32>
    %swap3A = arith.constant 0 : index
    %swap3A_5 = arith.constant 0 : index
    %swap3A_6 = vector.load %arg3[%swap3A, %swap3A_5] : memref<2000x128xf32, #tpu.memory_space<vmem>>, vector<2000x128xf32>
    tpu.vector_store %arg3[%swap3A, %swap3A_5], %add3A {strides = array<i32>} : memref<2000x128xf32, #tpu.memory_space<vmem>>, vector<2000x128xf32>,
    return
  }
  func.func @transform_0(%arg0: i32) -> (i32, i32) {
    %c0_i32 = arith.constant 0 : i32
    %c0_i32_0 = arith.constant 0 : i32
    return %arg0, %c0_i32 : i32, i32
  }
  func.func @transform_1(%arg0: i32) -> (i32, i32) {
    %c0_i32 = arith.constant 0 : i32
    %c0_i32_0 = arith.constant 0 : i32
    return %arg0, %c0_i32 : i32, i32
  }
  func.func @transform_2(%arg0: i32) -> (i32, i32) {
    %c0_i32 = arith.constant 0 : i32
    %c0_i32_0 = arith.constant 0 : i32
    return %arg0, %c0_i32 : i32, i32
  }
}

</mosaic_0001>

<sc_bundles>
// kernel: kernel.4.cloned.1.call-start
scs
__scs_entry_jumppad:
0x0: {  	(pc) =	sbr.rel $0x88, $3  }
0x1: {  	(tag) =	ssettag $0x0;
	lr =	simm.s32 $0x1  }
0x2: {  	[smem:$0x3F9F] =	sst lr;
	_ =	strace $0xD0000000  }
0x3: {  	_ = 	snop  }
0x4: {  	_ = 	snop  }
0x5: {  	_ = 	snop  }
0x6: {  	_ = 	snop  }
0x7: {  	_ = 	snop  }
__scs_overlays_trampoline_lowered:
0x8: {  	[smem:$0x3FAE] =	sst s0  }
0x9: {  	[smem:$0x3FAF] =	sst s1  }
0xa: {  	[smem:$0x3FB0] =	sst s2  }
0xb: {  	[smem:$0x3FB1] =	sst s3  }
0xc: {  	[smem:$0x3FB2] =	sst s4  }
0xd: {  	[smem:$0x3FB3] =	sst s5  }
0xe: {  	[smem:$0x3FB4] =	sst s6  }
0xf: {  	[smem:$0x3FB5] =	sst s7  }
0x10: {  	[smem:$0x3FB6] =	sst s8  }
0x11: {  	[smem:$0x3FB7] =	sst s9;
	s0 =	simm.s32 @!p0 $0x0  }
0x12: {  	s1 =	sld [smem:$0x3F9D];
	s0 =	simm.s32 @p0 $0x1  }
0x13: {  	[smem:$0x3FB8] =	sst s0;
	s0 =	simm.s32 @!p1 $0x0  }
0x14: {  	s2 =	sld [smem:$0x3F9C];
	s0 =	simm.s32 @p1 $0x1  }
0x15: {  	[smem:$0x3FB9] =	sst s0;
	s0 =	simm.s32 @!p2 $0x0  }
0x16: {  	s3 =	sld [smem:$0x3FDB];
	s0 =	simm.s32 @p2 $0x1  }
0x17: {  	s4 =	simm.s32 $0x1BF5;
	[smem:$0x3FBB] =	sst s0  }
0x18: {  	s0 =	sld [smem:$0x3F9E];
	_ =	swait.ge [sflag:s4], $0x0  }
0x19: {  	s7 =	sld [smem:$0x3F9F]  }
0x1a: {  	s8 =	sadd.s32 $0xFFFFE003, lr  }
0x1b: {  	s9 =	sadd.s32 $0xFFFFFEF7, lr;
	s5 =	simm.s32 $0xFFFFFFFF;
	p2 =	slt.u32 s8, $0xFFFFF086  }
0x1c: {  	p1 =	slt.u32 s9, $0xF7A;
	s5 =	simm.s32 @!p2 $0x0  }
0x1d: {  	s5 =	simm.s32 @p1 $0x1;
	p0 =	seq.s32 s7, s2  }
0x1e: {  	s7 =	smul.u32 @!p0 $0xF7A, s2;
	p2 =	seq.s32 @!p0 s5, $0x0  }
0x1f: {  	s9 =	smul.u32 $0xF7A, s1;
	s8 =	simm.s32 @!p0 $0x1BF5;
	p2 =	por !p2, p0  }
0x20: {  	[sflag:s8] =	ssyncset.s32 @!p0 $0xFFFFF086;
	s6 =	sadd.s32 @!p0 s3, s7;
	s7 =	simm.s32 @!p0 $0x108  }
0x21: {  	s3 =	sadd.s32 s3, s9;
	s6 =	sadd.s32 @!p0 $0x88, s6;
	s7 =	simm.s32 @p2 $0x1082  }
0x22: {  	[simem:s7], [sflag:s8] =	dma.local @!p0 [hbm:s6], $0xF7A  }
0x23: {  	s9 =	sor.u32 $0xD0000000, s2;
	s6 =	simm.s32 $0x108;
	_ =	swait.ge @!p0 [sflag:s8], $0x0  }
0x24: {  	s3 =	sadd.s32 $0x88, s3;
	s6 =	simm.s32 @!p1 $0x1082;
	[sflag:s4] =	ssyncset.s32 $0xFFFFF086  }
0x25: {  	[simem:s6], [sflag:s4] =	dma.local [hbm:s3], $0xF7A  }
0x26: {  	[smem:$0x3F9F] =	sst s1;
	(tag) =	ssettag s2;
	_ =	strace s9  }
0x27: {  	s1 =	sld [smem:$0x3FAF]  }
0x28: {  	s2 =	sld [smem:$0x3FB0]  }
0x29: {  	s4 =	sld [smem:$0x3FB2]  }
0x2a: {  	p0 =	seq.s32 s5, $0x0;
	s5 =	sld [smem:$0x3FB3]  }
0x2b: {  	s6 =	sld [smem:$0x3FB4]  }
0x2c: {  	s7 =	sld [smem:$0x3FB5]  }
0x2d: {  	s3 =	simm.s32 $0x108;
	s8 =	sld [smem:$0x3FB6]  }
0x2e: {  	s3 =	simm.s32 @!p0 $0x1082;
	s9 =	sld [smem:$0x3FB7]  }
0x2f: {  	lr =	sadd.s32 s0, s3;
	s0 =	sld [smem:$0x3FAE]  }
0x30: {  	s3 =	sld [smem:$0x3FB1]  }
0x31: {  	[smem:$0x3FBA] =	sst s10  }
0x32: {  	s10 =	sld [smem:$0x3FB8];
	_ =	sdelay $0x3  }
0x33: {  	p0 =	seq.s32 s10, $0x1;
	s10 =	sld [smem:$0x3FBA];
	_ =	sdelay $0x3  }
0x34: {  	[smem:$0x3FBA] =	sst s10  }
0x35: {  	s10 =	sld [smem:$0x3FB9];
	_ =	sdelay $0x3  }
0x36: {  	p1 =	seq.s32 s10, $0x1;
	s10 =	sld [smem:$0x3FBA];
	_ =	sdelay $0x3  }
0x37: {  	[smem:$0x3FBA] =	sst s10  }
0x38: {  	s10 =	sld [smem:$0x3FBB]  }
0x39: {  	_ = 	snop;
	(pc) =	sbr.ind lr, $3  }
0x3a: {  	_ = 	snop  }
0x3b: {  	_ = 	snop  }
0x3c: {  	p2 =	seq.s32 s10, $0x1;
	s10 =	sld [smem:$0x3FBA]  }
0x3d: {  	_ =	shalt  }
0x3e: {  	_ =	shalt  }
0x3f: {  	_ =	shalt  }
0x40: {  	_ =	shalt  }
0x41: {  	_ =	shalt  }
0x42: {  	_ =	shalt  }
0x43: {  	_ =	shalt  }
0x44: {  	_ =	shalt  }
0x45: {  	_ =	shalt  }
0x46: {  	_ =	shalt  }
0x47: {  	_ =	shalt  }
0x48: {  	_ =	shalt  }
0x49: {  	_ =	shalt  }
0x4a: {  	_ =	shalt  }
0x4b: {  	_ =	shalt  }
0x4c: {  	_ =	shalt  }
0x4d: {  	_ =	shalt  }
0x4e: {  	_ =	shalt  }
0x4f: {  	_ =	shalt  }
0x50: {  	_ =	shalt  }
0x51: {  	_ =	shalt  }
0x52: {  	_ =	shalt  }
0x53: {  	_ =	shalt  }
0x54: {  	_ =	shalt  }
0x55: {  	_ =	shalt  }
0x56: {  	_ =	shalt  }
0x57: {  	_ =	shalt  }
0x58: {  	_ =	shalt  }
0x59: {  	_ =	shalt  }
0x5a: {  	_ =	shalt  }
0x5b: {  	_ =	shalt  }
0x5c: {  	_ =	shalt  }
0x5d: {  	_ =	shalt  }
0x5e: {  	_ =	shalt  }
0x5f: {  	_ =	shalt  }
0x60: {  	_ =	shalt  }
0x61: {  	_ =	shalt  }
0x62: {  	_ =	shalt  }
0x63: {  	_ =	shalt  }
0x64: {  	_ =	shalt  }
0x65: {  	_ =	shalt  }
0x66: {  	_ =	shalt  }
0x67: {  	_ =	shalt  }
0x68: {  	_ =	shalt  }
0x69: {  	_ =	shalt  }
0x6a: {  	_ =	shalt  }
0x6b: {  	_ =	shalt  }
0x6c: {  	_ =	shalt  }
0x6d: {  	_ =	shalt  }
0x6e: {  	_ =	shalt  }
0x6f: {  	_ =	shalt  }
0x70: {  	_ =	shalt  }
0x71: {  	_ =	shalt  }
0x72: {  	_ =	shalt  }
0x73: {  	_ =	shalt  }
0x74: {  	_ =	shalt  }
0x75: {  	_ =	shalt  }
0x76: {  	_ =	shalt  }
0x77: {  	_ =	shalt  }
0x78: {  	_ =	shalt  }
0x79: {  	_ =	shalt  }
0x7a: {  	_ =	shalt  }
0x7b: {  	_ =	shalt  }
0x7c: {  	_ =	shalt  }
0x7d: {  	_ =	shalt  }
0x7e: {  	_ =	shalt  }
0x7f: {  	_ =	shalt  }
0x80: {  	_ =	shalt  }
0x81: {  	_ =	shalt  }
0x82: {  	_ =	shalt  }
0x83: {  	_ =	shalt  }
0x84: {  	_ =	shalt  }
0x85: {  	_ =	shalt  }
0x86: {  	_ =	shalt  }
0x87: {  	_ =	shalt  }
.Lfunc_end0:
.L_simem_size_0:
called_computation_lowered:
.L_overlay_start_0:
0x88: {  	s2 =	sld [smem:$0x3FD9]  }
0x89: {  	s3 =	sld [smem:$0x3FFE];
	_ =	sdelay $0x1  }
0x8a: {  	s1 =	srdreg.scid  }
0x8b: {  	s0 =	sand.u32 $0x1, s1  }
0x8c: {  	s17 =	sshll.u32 s0, $0xA;
	s2 =	sadd.s32 s3, s2  }
0x8d: {  	s2 =	sadd.s32 s2, s17  }
0x8e: {  	[smem:$0x3FC6] =	sst s2  }
0x8f: {  	_ = 	snop  }
0x90: {  	s2 =	sld [smem:$0x3FC9]  }
0x91: {  	s18 =	sld [smem:$0x3FC8]  }
0x92: {  	s4 =	sld [smem:$0x3FD0];
	(tm) =	ssettm $0x1  }
0x93: {  	s5 =	sld [smem:$0x3FFB];
	_ =	sdelay $0x3  }
0x94: {  	_ =	strace s5  }
0x95: {  	s5 =	sld [smem:$0x3FFC];
	_ =	sdelay $0x3  }
0x96: {  	_ =	strace s5  }
0x97: {  	s5 =	sld [smem:$0x3FFD];
	_ =	sdelay $0x3  }
0x98: {  	_ =	strace s5  }
0x99: {  	_ =	strace $0x8FFFFFFF  }
0x9a: {  	s19 =	sld [smem:$0x3FDB];
	_ =	sdelay $0x1  }
0x9b: {  	s6 =	simm.s32 $_scs_section_size  }
0x9c: {  	s7 =	simm.s32 $_size__tile_overlayer_lowered;
	s8 =	simm.s32 $_tile_overlayer_lowered  }
0x9d: {  	s22 =	simm.s32 $0x1BFF;
	s21 =	sshll.u32 s8, $0x1;
	s5 =	sadd.s32 s6, s19  }
0x9e: {  	s9 =	simm.s32 $0x0;
	s20 =	sshll.u32 s7, $0x1;
	s7 =	sadd.s32 s21, s5  }
0x9f: {  	[timem:s9], [sflag:s22] =	dma.local [hbm:s7], s20  }
0xa0: {  	_ =	swait.ge [sflag:s22], s20  }
0xa1: {  	s6 =	ssub.s32 $0x0, s20;
	[sflag:s22] =	ssyncset.done $0x0  }
0xa2: {  	[sflag:s22] =	ssyncadd.s32 s6;
	_ =	sdelay $0x1  }
0xa3: {  	s23 =	simm.s32 $0x1B8B  }
0xa4: {  	_ =	swait.ge [sflag:s23], $0x1  }
0xa5: {  	[sflag:s23] =	ssyncset.done $0x0  }
0xa6: {  	s25 =	simm.s32 $0x1B8E;
	s24 =	sld [smem:$0x3FFE];
	[sflag:s23] =	ssyncadd.s32 $0xFFFFFFFF  }
0xa7: {  	s26 =	simm.s32 $execute0_lowered;
	[smem:$0x3FD2] =	sst s25  }
0xa8: {  	s7 =	sshll.u32 s26, $0x1;
	_ =	strace $0x80000046;
	[dreg:$0x1] =	wrdreg $0xFFFFFFFF  }
0xa9: {  	s28 =	simm.s32 $_size_execute0_lowered;
	s5 =	sadd.s32 s5, s7;
	[dreg:$0x0] =	wrdreg $0x0  }
0xaa: {  	s7 =	sshll.u32 s28, $0x1;
	[dreg:$0x2] =	wrdreg s5  }
0xab: {  	[dreg:$0x3] =	wrdreg s7  }
0xac: {  	[dreg:$0x4] =	wrdreg $0xC0  }
0xad: {  	_ =	task [dreg:s9], $0x5FFFF  }
0xae: {  	[dreg:$0x1] =	wrdreg $0xFFFFFFFF  }
0xaf: {  	[dreg:$0x0] =	wrdreg $0x60  }
0xb0: {  	[dreg:$0x2] =	wrdreg s2  }
0xb1: {  	[dreg:$0x3] =	wrdreg s18  }
0xb2: {  	[dreg:$0x4] =	wrdreg s4  }
0xb3: {  	[dreg:$0x5] =	wrdreg s24  }
0xb4: {  	[dreg:$0x6] =	wrdreg $0x0  }
0xb5: {  	[dreg:$0x7] =	wrdreg $0x9  }
0xb6: {  	_ =	task.clear_ibuf [dreg:s9], $0x8FFFF;
	_ =	strace $0x90000046  }
0xb7: {  	s29 =	simm.s32 $0x9;
	_ =	strace $0x80000048  }
0xb8: {  	_ =	swait.ge [sflag:s29], $0x1  }
0xb9: {  	[sflag:s29] =	ssyncadd.s32 $0xFFFFFFFF  }
0xba: {  	_ =	strace $0x90000048  }
0xbb: {  	_ =	sfence  }
0xbc: {  	s30 =	sld [smem:$0x0];
	_ =	sdelay $0x2  }
0xbd: {  	s31 =	sshll.u32 s1, $0xD;
	s1 =	sshrl.u32 s1, $0x2  }
0xbe: {  	s3 =	sand.u32 $0x4000, s31;
	s1 =	sadd.s32 s1, s30  }
0xbf: {  	s0 =	sor.u32 s3, s0;
	s1 =	sshll.u32 s1, $0x11  }
0xc0: {  	s0 =	sor.u32 s1, s0  }
0xc1: {  	s0 =	sadd.s32 $0x8F2B, s0  }
0xc2: {  	[sflag:s0] =	ssyncadd.remote.s32 $0x1  }
0xc3: {  	_ =	sfence.sel $0xFFFF  }
0xc4: {  	[dreg:$0x0] =	wrdreg $0xFFFFFFFF;
	(pc) =	sbr.abs _section_cstart, $3  }
0xc5: {  	[dreg:$0x1] =	wrdreg $0xFFFFFFFF  }
0xc6: {  	_ =	task.clear_ibuf [dreg:s9], $0x2FFFF;
	_ =	strace $0x9FFFFFFF  }
0xc7: {  	(tm) =	ssettm $0x7FFFFFFF  }
tec
execute0_lowered:
.L_overlay_start_1:
0x0: {  	(tag) =	ssettag $0x1  }
0x1: {  	s0 =	rddreg [dreg:$0x0]  }
0x2: {  	s4 =	rddreg [dreg:$0x1]  }
0x3: {  	s5 =	rddreg [dreg:$0x2]  }
0x4: {  	s2 =	srdreg.scid;
	s1 =	stileid.u32  }
0x5: {  	s6 =	rddreg [dreg:$0x3];
	s22 =	simm.s32 $0x13900;
	s23 =	simm.s32 $0x13A00  }
0x6: {  	s24 =	simm.s32 $0x13B00;
	s25 =	simm.s32 $0x13C00;
	s28 =	simm.s32 $0x1BE80  }
0x7: {  	s29 =	simm.s32 $0x13B80;
	s30 =	simm.s32 $0x8;
	s31 =	simm.s32 $0x4  }
0x8: {  	s8 =	sand.u32 $0x1, s2;
	s3 =	sshll.u32 s1, $0x1;
	s11 =	smul.u32 $0x4E000, s1  }
0x9: {  	s2 =	rddreg [dreg:$0x4];
	s6 =	sadd.s32 $0x600, s6;
	s13 =	smul.u32 $0x13800, s1  }
0xa: {  	s17 =	sshll.u32 s1, $0x6;
	s19 =	smul.u32 $0x9C, s1;
	p0 =	sne.s32 s1, $0x0  }
0xb: {  	p1 =	sgt.u32 s1, $0x1;
	s7 =	sor.u32 s8, s3;
	s18 =	smul.u32 $0x138800, s8  }
0xc: {  	s3 =	simm.s32 $0x0;
	s26 =	ssub.s32 $0x2, s8;
	s8 =	smul.u32 $0x4E, s8  }
0xd: {  	s1 =	simm.s32 $0xA;
	s9 =	smul.u32 $0x4E, s7;
	[smem:$0x7FF] =	sst s3  }
0xe: {  	s10 =	smin.u32 s7, $0x4;
	s12 =	sshrl.u32 s26, $0x1;
	s14 =	sshrl.u32 s11, $0x2  }
0xf: {  	s16 =	sshrl.u32 s13, $0x3;
	_ =	strace $0x80000047;
	[dreg:$0x6] =	wrdreg s22  }
0x10: {  	s11 =	sadd.s32 s14, s2;
	s14 =	sadd.s32 $0x138000, s2;
	[dreg:$0x7] =	wrdreg s23  }
0x11: {  	s13 =	sadd.s32 s13, s18;
	s22 =	simm.s32 $0x2;
	[dreg:$0x8] =	wrdreg s24  }
0x12: {  	s23 =	simm.s32 $0x17E80;
	[dreg:$0x9] =	wrdreg s25;
	s24 =	simm.s32 $0x13A80  }
0x13: {  	s25 =	simm.s32 $0x7;
	s7 =	sadd.s32 s10, s9;
	s9 =	ssub.s32 s26, s12  }
0x14: {  	s13 =	sshrl.u32 s13, $0x3;
	s12 =	sshrl.u32 s18, $0x3;
	s18 =	sshrl.u32 @!p0 s14, $0x3  }
0x15: {  	s26 =	simm.s32 $0x13E00;
	s14 =	simm.s32 $0x6;
	s7 =	sshll.u32 s7, $0x5  }
0x16: {  	s20 =	sadd.s32 s6, s13;
	s6 =	sadd.s32 s6, s12;
	[dreg:$0xa] =	wrdreg s26  }
0x17: {  	s21 =	smax.u32 s9, $0x1;
	s26 =	simm.s32 $0x3;
	[dreg:$0x15] =	wrdreg s18  }
0x18: {  	s9 =	simm.s32 $0xB;
	s15 =	sadd.s32 s4, s7;
	[dreg:$0x11] =	wrdreg s20  }
0x19: {  	s6 =	sadd.s32 $0x27000, s6;
	[dreg:$0x13] =	wrdreg s21;
	s20 =	simm.s32 $0x80  }
0x1a: {  	s21 =	simm.s32 $0x13E80;
	s7 =	sadd.s32 $0x20, s15;
	[dreg:$0xb] =	wrdreg s15  }
0x1b: {  	s15 =	sadd.s32 $0x9C0, s15;
	[dreg:$0x12] =	wrdreg s6;
	s6 =	simm.s32 $0x9  }
0x1c: {  	[dreg:$0xc] =	wrdreg s7;
	s7 =	sadd.s32 s5, s16;
	s5 =	sadd.s32 $0x27000, s5  }
0x1d: {  	[dreg:$0x10] =	wrdreg s15;
	s15 =	simm.s32 $0x13980;
	s16 =	sshrl.u32 s11, $0x3  }
0x1e: {  	s11 =	simm.s32 $0xC;
	[dreg:$0xd] =	wrdreg s7;
	s7 =	sor.u32 $0x1C0D, s17  }
0x1f: {  	[dreg:$0xf] =	wrdreg s5;
	s5 =	sadd.s32 s19, s10;
	s17 =	simm.s32 $0xD  }
0x20: {  	s10 =	simm.s32 $0x13D80;
	s19 =	simm.s32 $0x0;
	s5 =	sadd.s32 s8, s5  }
0x21: {  	[dreg:$0x14] =	wrdreg s16;
	s8 =	simm.s32 $0x5;
	s5 =	sshll.u32 s5, $0x5  }
0x22: {  	[dreg:$0xe] =	wrdreg s7;
	s13 =	sadd.s32 s5, s4;
	s5 =	simm.s32 $0x13C80  }
.LBB2_1:
0x23: {  	[dreg:$0x16] =	wrdreg s19  }
0x24: {  	s4 =	rddreg [dreg:$0xb];
	s12 =	simm.s32 $0x13880  }
0x25: {  	[tilespmem:s12], [sflag:$0x1] =	stream.linear.gather [hbm4b:s4+s3], $0x100, $0x38;
	[tilespmem:$0x1FE80] =	vst v63  }
0x26: {  	s19 =	rddreg [dreg:$0xc]  }
0x27: {  	[tilespmem:s15], [sflag:$0x2] =	stream.linear.gather [hbm4b:s19+s3], $0x100, $0x38;
	[tilespmem:$0x1FE80] =	vst v63  }
0x28: {  	s19 =	rddreg [dreg:$0xd]  }
0x29: {  	[spmem:s16], [sflag:s7] =	dma.local [hbm:s19], $0x2700  }
0x2a: {  	_ =	swait.ge [sflag:s17], $0x2700  }
0x2b: {  	[sflag:s17] =	ssyncset.done $0x0  }
0x2c: {  	s4 =	rddreg [dreg:$0xf];
	[sflag:s17] =	ssyncadd.s32 $0xFFFFD900  }
0x2d: {  	[spmem:s18], [sflag:s7] =	dma.local @!p0 [hbm:s4], $0x100  }
0x2e: {  	s4 =	simm.s32 @!p0 $0xD  }
0x2f: {  	_ =	swait.ge @!p0 [sflag:s4], $0x100  }
0x30: {  	[sflag:s4] =	ssyncset.done @!p0 $0x0  }
0x31: {  	[sflag:s4] =	ssyncadd.s32 @!p0 $0xFFFFFF00  }
0x32: {  	s17 =	simm.s32 $0x1;
	[bflag:$0x0] =	sbarrier.arrive $0xFFFF  }
0x33: {  	_ =	swait.ge [sflag:s17], $0x100  }
0x34: {  	[sflag:s17] =	ssyncset.done $0x0  }
0x35: {  	[sflag:s17] =	ssyncadd.s32 $0xFFFFFF00  }
0x36: {  	[tilespmem:s21], [sflag:$0x7] =	stream.indirect.gather [hbm4b:s0+s20], $0x80, s12, s20, $0xb8;
	[tilespmem:$0x1FE80] =	vst v63  }
0x37: {  	_ =	swait.ge [sflag:s22], $0x100  }
0x38: {  	p2 =	por $0x1, $0x1;
	[sflag:s22] =	ssyncset.done $0x0  }
0x39: {  	s4 =	simm.s32 @!p2 $0xB;
	[sflag:s22] =	ssyncadd.s32 $0xFFFFFF00  }
0x3a: {  	_ =	swait.ge @!p2 [sflag:s4], $0x4000  }
0x3b: {  	[sflag:s4] =	ssyncset.done @!p2 $0x0  }
0x3c: {  	[sflag:s4] =	ssyncadd.s32 @!p2 $0xFFFFC000;
	s4 =	sadd.s32 $0x0, s13  }
0x3d: {  	[tilespmem:s23], [sflag:$0x8] =	stream.indirect.gather [hbm4b:s0+s20], $0x80, s15, s20, $0xb8;
	[tilespmem:$0x1FE80] =	vst v63  }
0x3e: {  	s18 =	sadd.s32 $0x40, s4  }
0x3f: {  	[tilespmem:s24], [sflag:$0x3] =	stream.linear.gather [hbm4b:s18+s3], $0x100, $0x38;
	[tilespmem:$0x1FE80] =	vst v63  }
0x40: {  	_ =	swait.ge [sflag:s25], $0x4000  }
0x41: {  	[sflag:s25] =	ssyncset.done $0x0  }
0x42: {  	s19 =	rddreg [dreg:$0x6];
	[sflag:s25] =	ssyncadd.s32 $0xFFFFC000  }
0x43: {  	[spmem:s2] =	stream.indirect.scatter.add.f32 [tilespmem:s21], [sflag:$0xA], $0x80, s19, s20, $0xb8;
	[tilespmem:$0x1FE80] =	vst v63  }
0x44: {  	_ =	swait.ge [sflag:s26], $0x100  }
0x45: {  	[sflag:s26] =	ssyncset.done $0x0  }
0x46: {  	s16 =	simm.s32 @!p2 $0xC;
	[sflag:s26] =	ssyncadd.s32 $0xFFFFFF00  }
0x47: {  	_ =	swait.ge @!p2 [sflag:s16], $0x4000  }
0x48: {  	[sflag:s16] =	ssyncset.done @!p2 $0x0  }
0x49: {  	[sflag:s16] =	ssyncadd.s32 @!p2 $0xFFFFC000  }
0x4a: {  	[tilespmem:s28], [sflag:$0x9] =	stream.indirect.gather [hbm4b:s0+s20], $0x80, s24, s20, $0xb8;
	[tilespmem:$0x1FE80] =	vst v63  }
0x4b: {  	s7 =	sadd.s32 $0x60, s4  }
0x4c: {  	[tilespmem:s29], [sflag:$0x4] =	stream.linear.gather [hbm4b:s7+s3], $0x100, $0x38;
	[tilespmem:$0x1FE80] =	vst v63  }
0x4d: {  	_ =	swait.ge [sflag:s30], $0x4000  }
0x4e: {  	[sflag:s30] =	ssyncset.done $0x0  }
0x4f: {  	s12 =	rddreg [dreg:$0x7];
	[sflag:s30] =	ssyncadd.s32 $0xFFFFC000  }
0x50: {  	[spmem:s2] =	stream.indirect.scatter.add.f32 [tilespmem:s23], [sflag:$0xB], $0x80, s12, s20, $0xb8;
	[tilespmem:$0x1FE80] =	vst v63  }
0x51: {  	_ =	swait.ge [sflag:s31], $0x100  }
0x52: {  	[sflag:s31] =	ssyncset.done $0x0  }
0x53: {  	[sflag:s31] =	ssyncadd.s32 $0xFFFFFF00  }
0x54: {  	_ =	swait.ge [sflag:s1], $0x4000  }
0x55: {  	[sflag:s1] =	ssyncset.done $0x0  }
0x56: {  	[sflag:s1] =	ssyncadd.s32 $0xFFFFC000  }
0x57: {  	[tilespmem:s21], [sflag:$0x7] =	stream.indirect.gather [hbm4b:s0+s20], $0x80, s29, s20, $0xb8;
	[tilespmem:$0x1FE80] =	vst v63  }
0x58: {  	s17 =	sadd.s32 $0x80, s4  }
0x59: {  	[tilespmem:s5], [sflag:$0x5] =	stream.linear.gather [hbm4b:s17+s3], $0x100, $0x38;
	[tilespmem:$0x1FE80] =	vst v63  }
0x5a: {  	_ =	swait.ge [sflag:s6], $0x4000  }
0x5b: {  	[sflag:s6] =	ssyncset.done $0x0  }
0x5c: {  	s18 =	rddreg [dreg:$0x8];
	[sflag:s6] =	ssyncadd.s32 $0xFFFFC000  }
0x5d: {  	[spmem:s2] =	stream.indirect.scatter.add.f32 [tilespmem:s28], [sflag:$0xC], $0x80, s18, s20, $0xb8;
	[tilespmem:$0x1FE80] =	vst v63  }
0x5e: {  	_ =	swait.ge [sflag:s8], $0x100  }
0x5f: {  	[sflag:s8] =	ssyncset.done $0x0  }
0x60: {  	[sflag:s8] =	ssyncadd.s32 $0xFFFFFF00  }
0x61: {  	_ =	swait.ge [sflag:s9], $0x4000  }
0x62: {  	[sflag:s9] =	ssyncset.done $0x0  }
0x63: {  	[sflag:s9] =	ssyncadd.s32 $0xFFFFC000  }
0x64: {  	[tilespmem:s23], [sflag:$0x8] =	stream.indirect.gather [hbm4b:s0+s20], $0x80, s5, s20, $0xb8;
	[tilespmem:$0x1FE80] =	vst v63  }
0x65: {  	s4 =	sadd.s32 $0xA0, s4  }
0x66: {  	[tilespmem:s10], [sflag:$0x6] =	stream.linear.gather [hbm4b:s4+s3], $0x100, $0x38;
	[tilespmem:$0x1FE80] =	vst v63  }
0x67: {  	_ =	swait.ge [sflag:s25], $0x4000  }
0x68: {  	[sflag:s25] =	ssyncset.done $0x0  }
0x69: {  	s19 =	rddreg [dreg:$0x9];
	[sflag:s25] =	ssyncadd.s32 $0xFFFFC000  }
0x6a: {  	[spmem:s2] =	stream.indirect.scatter.add.f32 [tilespmem:s21], [sflag:$0xA], $0x80, s19, s20, $0xb8;
	[tilespmem:$0x1FE80] =	vst v63  }
0x6b: {  	_ =	swait.ge [sflag:s14], $0x100  }
0x6c: {  	[sflag:s14] =	ssyncset.done $0x0  }
0x6d: {  	[sflag:s14] =	ssyncadd.s32 $0xFFFFFF00  }
0x6e: {  	_ =	swait.ge [sflag:s11], $0x4000  }
0x6f: {  	p2 =	por $0x0, $0x0;
	[sflag:s11] =	ssyncset.done $0x0  }
0x70: {  	s4 =	simm.s32 @p2 $0x8;
	[sflag:s11] =	ssyncadd.s32 $0xFFFFC000  }
0x71: {  	[tilespmem:s28], [sflag:$0x9] =	stream.indirect.gather [hbm4b:s0+s20], $0x80, s10, s20, $0xb8;
	[tilespmem:$0x1FE80] =	vst v63  }
0x72: {  	s16 =	sadd.s32 @!p2 $0x0, s13;
	_ =	swait.ge @p2 [sflag:s4], $0x4000  }
0x73: {  	s7 =	simm.s32 @p2 $0x13D00;
	s17 =	simm.s32 @p2 $0x80;
	[sflag:s4] =	ssyncset.done @p2 $0x0  }
0x74: {  	s18 =	sadd.s32 @!p2 $0xC0, s16;
	s19 =	simm.s32 @p2 $0x17E80;
	[sflag:s4] =	ssyncadd.s32 @p2 $0xFFFFC000  }
0x75: {  	[spmem:s2] =	stream.indirect.scatter.add.f32 @p2 [tilespmem:s19], [sflag:$0xB], $0x80, s7, s17, $0xb8;
	[tilespmem:$0x1FE80] =	vst v63  }
0x76: {  	s4 =	simm.s32 @!p2 $0x0;
	s7 =	simm.s32 @!p2 $0x13880;
	s17 =	simm.s32 @!p2 $0x8  }
0x77: {  	[tilespmem:s7], [sflag:$0x1] =	stream.linear.gather @!p2 [hbm4b:s18+s4], $0x100, $0x38;
	[tilespmem:$0x1FE80] =	vst v63  }
0x78: {  	_ =	swait.ge @!p2 [sflag:s17], $0x4000  }
0x79: {  	s19 =	simm.s32 @!p2 $0x80;
	[sflag:s17] =	ssyncset.done @!p2 $0x0  }
0x7a: {  	s18 =	simm.s32 @!p2 $0x17E80;
	[sflag:s17] =	ssyncadd.s32 @!p2 $0xFFFFC000;
	s17 =	simm.s32 @!p2 $0x13D00  }
0x7b: {  	[spmem:s2] =	stream.indirect.scatter.add.f32 @!p2 [tilespmem:s18], [sflag:$0xB], $0x80, s17, s19, $0xb8;
	[tilespmem:$0x1FE80] =	vst v63  }
0x7c: {  	s17 =	simm.s32 @!p2 $0x1  }
0x7d: {  	_ =	swait.ge @!p2 [sflag:s17], $0x100  }
0x7e: {  	[sflag:s17] =	ssyncset.done @!p2 $0x0  }
0x7f: {  	[sflag:s17] =	ssyncadd.s32 @!p2 $0xFFFFFF00;
	s17 =	simm.s32 @!p2 $0xA  }
0x80: {  	_ =	swait.ge @!p2 [sflag:s17], $0x4000  }
0x81: {  	[sflag:s17] =	ssyncset.done @!p2 $0x0  }
0x82: {  	[sflag:s17] =	ssyncadd.s32 @!p2 $0xFFFFC000;
	s17 =	simm.s32 @!p2 $0x13E80  }
0x83: {  	[tilespmem:s17], [sflag:$0x7] =	stream.indirect.gather @!p2 [hbm4b:s0+s19], $0x80, s7, s19, $0xb8;
	[tilespmem:$0x1FE80] =	vst v63  }
0x84: {  	s7 =	sadd.s32 @!p2 $0xE0, s16;
	s16 =	simm.s32 @!p2 $0x13980  }
0x85: {  	[tilespmem:s16], [sflag:$0x2] =	stream.linear.gather @!p2 [hbm4b:s7+s4], $0x100, $0x38;
	[tilespmem:$0x1FE80] =	vst v63  }
0x86: {  	_ =	swait.ge [sflag:s6], $0x4000  }
0x87: {  	[sflag:s6] =	ssyncset.done $0x0  }
0x88: {  	s4 =	simm.s32 $0xC0;
	s16 =	rddreg [dreg:$0xa];
	[sflag:s6] =	ssyncadd.s32 $0xFFFFC000  }
.LBB2_2:
0x89: {  	[spmem:s2] =	stream.indirect.scatter.add.f32 [tilespmem:s28], [sflag:$0xC], $0x80, s16, s20, $0xb8;
	[tilespmem:$0x1FE80] =	vst v63  }
0x8a: {  	s19 =	smov.u32 s4;
	_ =	swait.ge [sflag:s22], $0x100  }
0x8b: {  	p3 =	seq.s32 s19, $0x0;
	[sflag:s22] =	ssyncset.done $0x0  }
0x8c: {  	s7 =	simm.s32 @!p3 $0xB;
	[sflag:s22] =	ssyncadd.s32 $0xFFFFFF00  }
0x8d: {  	_ =	swait.ge @!p3 [sflag:s7], $0x4000  }
0x8e: {  	[sflag:s7] =	ssyncset.done @!p3 $0x0  }
0x8f: {  	s16 =	sadd.s32 s19, s13;
	[sflag:s7] =	ssyncadd.s32 @!p3 $0xFFFFC000  }
0x90: {  	[tilespmem:s23], [sflag:$0x8] =	stream.indirect.gather [hbm4b:s0+s20], $0x80, s15, s20, $0xb8;
	[tilespmem:$0x1FE80] =	vst v63  }
0x91: {  	s12 =	sadd.s32 $0x40, s16  }
0x92: {  	[tilespmem:s24], [sflag:$0x3] =	stream.linear.gather [hbm4b:s12+s3], $0x100, $0x38;
	[tilespmem:$0x1FE80] =	vst v63  }
0x93: {  	_ =	swait.ge [sflag:s25], $0x4000  }
0x94: {  	[sflag:s25] =	ssyncset.done $0x0  }
0x95: {  	s15 =	rddreg [dreg:$0x6];
	[sflag:s25] =	ssyncadd.s32 $0xFFFFC000  }
0x96: {  	[spmem:s2] =	stream.indirect.scatter.add.f32 [tilespmem:s21], [sflag:$0xA], $0x80, s15, s20, $0xb8;
	[tilespmem:$0x1FE80] =	vst v63  }
0x97: {  	_ =	swait.ge [sflag:s26], $0x100  }
0x98: {  	[sflag:s26] =	ssyncset.done $0x0  }
0x99: {  	s7 =	simm.s32 @!p3 $0xC;
	[sflag:s26] =	ssyncadd.s32 $0xFFFFFF00  }
0x9a: {  	_ =	swait.ge @!p3 [sflag:s7], $0x4000  }
0x9b: {  	[sflag:s7] =	ssyncset.done @!p3 $0x0  }
0x9c: {  	[sflag:s7] =	ssyncadd.s32 @!p3 $0xFFFFC000  }
0x9d: {  	[tilespmem:s28], [sflag:$0x9] =	stream.indirect.gather [hbm4b:s0+s20], $0x80, s24, s20, $0xb8;
	[tilespmem:$0x1FE80] =	vst v63  }
0x9e: {  	s17 =	sadd.s32 $0x60, s16  }
0x9f: {  	[tilespmem:s29], [sflag:$0x4] =	stream.linear.gather [hbm4b:s17+s3], $0x100, $0x38;
	[tilespmem:$0x1FE80] =	vst v63  }
0xa0: {  	_ =	swait.ge [sflag:s30], $0x4000  }
0xa1: {  	[sflag:s30] =	ssyncset.done $0x0  }
0xa2: {  	s18 =	rddreg [dreg:$0x7];
	[sflag:s30] =	ssyncadd.s32 $0xFFFFC000  }
0xa3: {  	[spmem:s2] =	stream.indirect.scatter.add.f32 [tilespmem:s23], [sflag:$0xB], $0x80, s18, s20, $0xb8;
	[tilespmem:$0x1FE80] =	vst v63  }
0xa4: {  	_ =	swait.ge [sflag:s31], $0x100  }
0xa5: {  	[sflag:s31] =	ssyncset.done $0x0  }
0xa6: {  	[sflag:s31] =	ssyncadd.s32 $0xFFFFFF00  }
0xa7: {  	_ =	swait.ge [sflag:s1], $0x4000  }
0xa8: {  	[sflag:s1] =	ssyncset.done $0x0  }
0xa9: {  	[sflag:s1] =	ssyncadd.s32 $0xFFFFC000  }
0xaa: {  	[tilespmem:s21], [sflag:$0x7] =	stream.indirect.gather [hbm4b:s0+s20], $0x80, s29, s20, $0xb8;
	[tilespmem:$0x1FE80] =	vst v63  }
0xab: {  	s12 =	sadd.s32 $0x80, s16  }
0xac: {  	[tilespmem:s5], [sflag:$0x5] =	stream.linear.gather [hbm4b:s12+s3], $0x100, $0x38;
	[tilespmem:$0x1FE80] =	vst v63  }
0xad: {  	_ =	swait.ge [sflag:s6], $0x4000  }
0xae: {  	[sflag:s6] =	ssyncset.done $0x0  }
0xaf: {  	s15 =	rddreg [dreg:$0x8];
	[sflag:s6] =	ssyncadd.s32 $0xFFFFC000  }
0xb0: {  	[spmem:s2] =	stream.indirect.scatter.add.f32 [tilespmem:s28], [sflag:$0xC], $0x80, s15, s20, $0xb8;
	[tilespmem:$0x1FE80] =	vst v63  }
0xb1: {  	_ =	swait.ge [sflag:s8], $0x100  }
0xb2: {  	[sflag:s8] =	ssyncset.done $0x0  }
0xb3: {  	[sflag:s8] =	ssyncadd.s32 $0xFFFFFF00  }
0xb4: {  	_ =	swait.ge [sflag:s9], $0x4000  }
0xb5: {  	[sflag:s9] =	ssyncset.done $0x0  }
0xb6: {  	[sflag:s9] =	ssyncadd.s32 $0xFFFFC000  }
0xb7: {  	[tilespmem:s23], [sflag:$0x8] =	stream.indirect.gather [hbm4b:s0+s20], $0x80, s5, s20, $0xb8;
	[tilespmem:$0x1FE80] =	vst v63  }
0xb8: {  	s17 =	sadd.s32 $0xA0, s16  }
0xb9: {  	[tilespmem:s10], [sflag:$0x6] =	stream.linear.gather [hbm4b:s17+s3], $0x100, $0x38;
	[tilespmem:$0x1FE80] =	vst v63  }
0xba: {  	_ =	swait.ge [sflag:s25], $0x4000  }
0xbb: {  	[sflag:s25] =	ssyncset.done $0x0  }
0xbc: {  	s18 =	rddreg [dreg:$0x9];
	[sflag:s25] =	ssyncadd.s32 $0xFFFFC000  }
0xbd: {  	[spmem:s2] =	stream.indirect.scatter.add.f32 [tilespmem:s21], [sflag:$0xA], $0x80, s18, s20, $0xb8;
	[tilespmem:$0x1FE80] =	vst v63  }
0xbe: {  	_ =	swait.ge [sflag:s14], $0x100  }
0xbf: {  	[sflag:s14] =	ssyncset.done $0x0  }
0xc0: {  	[sflag:s14] =	ssyncadd.s32 $0xFFFFFF00  }
0xc1: {  	_ =	swait.ge [sflag:s11], $0x4000  }
0xc2: {  	p3 =	seq.s32 s19, $0x900;
	[sflag:s11] =	ssyncset.done $0x0  }
0xc3: {  	s7 =	simm.s32 @p3 $0x8;
	[sflag:s11] =	ssyncadd.s32 $0xFFFFC000  }
0xc4: {  	[tilespmem:s28], [sflag:$0x9] =	stream.indirect.gather [hbm4b:s0+s20], $0x80, s10, s20, $0xb8;
	[tilespmem:$0x1FE80] =	vst v63  }
0xc5: {  	s16 =	sadd.s32 @!p3 s19, s13;
	_ =	swait.ge @p3 [sflag:s7], $0x4000  }
0xc6: {  	s19 =	simm.s32 @p3 $0x80;
	s12 =	simm.s32 @p3 $0x13D00;
	[sflag:s7] =	ssyncset.done @p3 $0x0  }
0xc7: {  	s15 =	simm.s32 @!p3 $0x13880;
	s17 =	simm.s32 @p3 $0x17E80;
	[sflag:s7] =	ssyncadd.s32 @p3 $0xFFFFC000  }
0xc8: {  	[spmem:s2] =	stream.indirect.scatter.add.f32 @p3 [tilespmem:s17], [sflag:$0xB], $0x80, s12, s19, $0xb8;
	[tilespmem:$0x1FE80] =	vst v63  }
0xc9: {  	s18 =	sadd.s32 @!p3 $0xC0, s16;
	s7 =	simm.s32 @!p3 $0x0;
	s12 =	simm.s32 @!p3 $0x8  }
0xca: {  	[tilespmem:s15], [sflag:$0x1] =	stream.linear.gather @!p3 [hbm4b:s18+s7], $0x100, $0x38;
	[tilespmem:$0x1FE80] =	vst v63  }
0xcb: {  	_ =	swait.ge @!p3 [sflag:s12], $0x4000  }
0xcc: {  	s17 =	simm.s32 @!p3 $0x17E80;
	s19 =	simm.s32 @!p3 $0x13D00;
	[sflag:s12] =	ssyncset.done @!p3 $0x0  }
0xcd: {  	s18 =	simm.s32 @!p3 $0x80;
	[sflag:s12] =	ssyncadd.s32 @!p3 $0xFFFFC000;
	s12 =	simm.s32 @!p3 $0x1  }
0xce: {  	[spmem:s2] =	stream.indirect.scatter.add.f32 @!p3 [tilespmem:s17], [sflag:$0xB], $0x80, s19, s18, $0xb8;
	[tilespmem:$0x1FE80] =	vst v63  }
0xcf: {  	_ =	swait.ge @!p3 [sflag:s12], $0x100  }
0xd0: {  	[sflag:s12] =	ssyncset.done @!p3 $0x0  }
0xd1: {  	s17 =	simm.s32 @!p3 $0xA;
	[sflag:s12] =	ssyncadd.s32 @!p3 $0xFFFFFF00  }
0xd2: {  	_ =	swait.ge @!p3 [sflag:s17], $0x4000  }
0xd3: {  	s4 =	sadd.s32 $0xC0, s4;
	[sflag:s17] =	ssyncset.done @!p3 $0x0  }
0xd4: {  	p2 =	sne.s32 s4, $0x9C0;
	s12 =	simm.s32 @!p3 $0x13E80;
	[sflag:s17] =	ssyncadd.s32 @!p3 $0xFFFFC000  }
0xd5: {  	[tilespmem:s12], [sflag:$0x7] =	stream.indirect.gather @!p3 [hbm4b:s0+s18], $0x80, s15, s18, $0xb8;
	[tilespmem:$0x1FE80] =	vst v63  }
.Ltmp0:
0xd6: {  	s16 =	sadd.s32 @!p3 $0xE0, s16;
	s17 =	simm.s32 @!p3 $0x13980;
	(pc) =	sbr.rel @p2 .LBB2_2-.Ltmp0, $4  }
0xd7: {  	[tilespmem:s17], [sflag:$0x2] =	stream.linear.gather @!p3 [hbm4b:s16+s7], $0x100, $0x38;
	[tilespmem:$0x1FE80] =	vst v63  }
0xd8: {  	_ =	swait.ge [sflag:s6], $0x4000  }
0xd9: {  	[sflag:s6] =	ssyncset.done $0x0  }
0xda: {  	s15 =	simm.s32 $0x13980;
	s16 =	rddreg [dreg:$0xa];
	[sflag:s6] =	ssyncadd.s32 $0xFFFFC000  }
0xdb: {  	[spmem:s2] =	stream.indirect.scatter.add.f32 [tilespmem:s28], [sflag:$0xC], $0x80, s16, s20, $0xb8;
	[tilespmem:$0x1FE80] =	vst v63  }
0xdc: {  	_ =	swait.ge [sflag:s1], $0x4000  }
0xdd: {  	[sflag:s1] =	ssyncset.done $0x0  }
0xde: {  	[sflag:s1] =	ssyncadd.s32 $0xFFFFC000  }
0xdf: {  	_ =	swait.ge [sflag:s9], $0x4000  }
0xe0: {  	[sflag:s9] =	ssyncset.done $0x0  }
0xe1: {  	[sflag:s9] =	ssyncadd.s32 $0xFFFFC000  }
0xe2: {  	_ =	swait.ge [sflag:s11], $0x4000  }
0xe3: {  	s4 =	simm.s32 @!p1 $0x0;
	[sflag:s11] =	ssyncset.done $0x0  }
0xe4: {  	s7 =	simm.s32 @!p1 $0x13880;
	s12 =	rddreg [dreg:$0x10];
	[sflag:s11] =	ssyncadd.s32 $0xFFFFC000  }
0xe5: {  	[tilespmem:s7], [sflag:$0x1] =	stream.linear.gather @!p1 [hbm4b:s12+s4], $0x100, $0x38;
	[tilespmem:$0x1FE80] =	vst v63  }
0xe6: {  	s4 =	simm.s32 @!p1 $0x1  }
0xe7: {  	_ =	swait.ge @!p1 [sflag:s4], $0x100  }
0xe8: {  	[sflag:s4] =	ssyncset.done @!p1 $0x0  }
0xe9: {  	s12 =	simm.s32 @!p1 $0x13E80;
	[sflag:s4] =	ssyncadd.s32 @!p1 $0xFFFFFF00;
	s4 =	simm.s32 @!p1 $0x80  }
0xea: {  	[tilespmem:s12], [sflag:$0x7] =	stream.indirect.gather @!p1 [hbm4b:s0+s4], $0x80, s7, s4, $0xb8;
	[tilespmem:$0x1FE80] =	vst v63  }
0xeb: {  	s7 =	simm.s32 @!p1 $0x7  }
0xec: {  	_ =	swait.ge @!p1 [sflag:s7], $0x4000  }
0xed: {  	[sflag:s7] =	ssyncset.done @!p1 $0x0  }
0xee: {  	[sflag:s7] =	ssyncadd.s32 @!p1 $0xFFFFC000;
	s7 =	simm.s32 @!p1 $0x13900  }
0xef: {  	[spmem:s2] =	stream.indirect.scatter.add.f32 @!p1 [tilespmem:s12], [sflag:$0xA], $0x80, s7, s4, $0xb8;
	[tilespmem:$0x1FE80] =	vst v63  }
0xf0: {  	s4 =	simm.s32 @!p1 $0xA  }
0xf1: {  	_ =	swait.ge @!p1 [sflag:s4], $0x4000  }
0xf2: {  	[sflag:s4] =	ssyncset.done @!p1 $0x0  }
0xf3: {  	[sflag:s4] =	ssyncadd.s32 @!p1 $0xFFFFC000  }
0xf4: {  	[bflag:$0x0] =	sbarrier.arrive $0xFFFF  }
0xf5: {  	s7 =	rddreg [dreg:$0xe]  }
0xf6: {  	s19 =	rddreg [dreg:$0x11]  }
0xf7: {  	s17 =	simm.s32 $0xD;
	s16 =	rddreg [dreg:$0x14]  }
0xf8: {  	[hbm:s19], [sflag:s7] =	dma.local [spmem:s16], $0x2700  }
0xf9: {  	_ =	swait.ge [sflag:s17], $0x2700  }
0xfa: {  	[sflag:s17] =	ssyncset.done $0x0;
	s4 =	rddreg [dreg:$0x12]  }
0xfb: {  	s18 =	rddreg [dreg:$0x15];
	[sflag:s17] =	ssyncadd.s32 $0xFFFFD900  }
0xfc: {  	[hbm:s4], [sflag:s7] =	dma.local @!p0 [spmem:s18], $0x100  }
0xfd: {  	s4 =	simm.s32 @!p0 $0xD  }
0xfe: {  	_ =	swait.ge @!p0 [sflag:s4], $0x100  }
0xff: {  	s19 =	rddreg [dreg:$0x16]  }
0x100: {  	s12 =	rddreg [dreg:$0x13];
	s19 =	sadd.s32 $0x1, s19  }
0x101: {  	p2 =	sne.s32 s19, s12  }
.Ltmp1:
0x102: {  	_ = 	snop;
	(pc) =	sbr.rel @p2 .LBB2_1-.Ltmp1, $3  }
0x103: {  	_ =	sdelay $0x1  }
0x104: {  	[sflag:s4] =	ssyncset.done @!p0 $0x0  }
0x105: {  	[sflag:s4] =	ssyncadd.s32 @!p0 $0xFFFFFF00  }
0x106: {  	_ =	sfence.sel $0x180000  }
0x107: {  	[bflag:$0x0] =	sbarrier.arrive $0xFFFF  }
0x108: {  	_ =	strace $0x90000047  }
0x109: {  	[bflag:$0x2] =	sbarrier.arrive $0xFFFF  }
0x10a: {  	s0 =	rddreg [dreg:$0x5]  }
0x10b: {  	s0 =	sadd.s32 @!p0 $0x100000, s0  }
0x10c: {  	[sflag:s0] =	ssyncadd.tile.s32 @!p0 $0x1;
	_ =	shalt  }
.Lfunc_end2:
_tile_overlayer_lowered:
.L_overlay_start_2:
0x10d: {  	(tag) =	ssettag $0x2  }
0x10e: {  	s0 =	rddreg [dreg:$0x0];
	s2 =	stileid.u32  }
0x10f: {  	s1 =	rddreg [dreg:$0x1];
	p0 =	sne.s32 s2, $0x0  }
0x110: {  	s3 =	rddreg [dreg:$0x2];
	[bflag:$0x3] =	sbarrier.arrive $0xFFFF;
	s2 =	simm.s32 @!p0 $0x1C0D  }
0x111: {  	[timem:s3], [sflag:s2] =	dma.local @!p0 [hbm:s0], s1  }
0x112: {  	s0 =	simm.s32 @!p0 $0xD  }
0x113: {  	_ =	swait.ge @!p0 [sflag:s0], s1  }
0x114: {  	s1 =	ssub.s32 @!p0 $0x0, s1;
	[sflag:s0] =	ssyncset.done @!p0 $0x0  }
0x115: {  	[sflag:s0] =	ssyncadd.s32 @!p0 s1  }
0x116: {  	[bflag:$0x3] =	sbarrier.arrive $0xFFFF  }
0x117: {  	_ =	shalt  }

</sc_bundles>
